<compile_context>
chip_gen: v7x
topology: tpu7x:2x2x1
jax: 0.10.2.dev20260603
libtpu: 0.0.44.dev20260713+nightly
codegen_flags: <defaults>
</compile_context>

<pallas_src>
import functools

import jax
import jax.numpy as jnp
from jax import lax
from jax.experimental import pallas as pl
from jax.experimental.pallas import tpu as pltpu
from jax.experimental.pallas import tpu_sc as plsc

_N = 50000
_K = 2048
_NS = 16
_CHUNK = 3136
_NCH = _CHUNK // 16
_NPAD = _NS * _CHUNK


@functools.cache
def _build_fps_sc():
  mesh = plsc.VectorSubcoreMesh(
      core_axis_name="c", subcore_axis_name="s", num_cores=1, num_subcores=_NS
  )

  @functools.partial(
      pl.kernel,
      out_type=jax.ShapeDtypeStruct((_K * 3,), jnp.float32),
      mesh=mesh,
      compiler_params=pltpu.CompilerParams(needs_layout_passes=False),
      scratch_types=[
          pltpu.VMEM((_CHUNK,), jnp.float32),
          pltpu.VMEM((_CHUNK,), jnp.float32),
          pltpu.VMEM((_CHUNK,), jnp.float32),
          pltpu.VMEM((_CHUNK,), jnp.float32),
          pltpu.VMEM((16,), jnp.float32),
          pltpu.VMEM((_NS * 16,), jnp.float32),
          pltpu.VMEM((_K * 3,), jnp.float32),
          pltpu.VMEM_SHARED((2 * _NS * 16,), jnp.float32),
      ],
  )
  def _fps_sc(x0_hbm, x1_hbm, x2_hbm, out_hbm, X0, X1, X2, D, rec, M, OUT,
              merge):
    w = lax.axis_index("s")
    base = w * _CHUNK
    iota = lax.iota(jnp.int32, 16)
    zeros_i = jnp.zeros((16,), jnp.int32)

    pltpu.sync_copy(x0_hbm.at[pl.ds(base, _CHUNK)], X0)
    pltpu.sync_copy(x1_hbm.at[pl.ds(base, _CHUNK)], X1)
    pltpu.sync_copy(x2_hbm.at[pl.ds(base, _CHUNK)], X2)

    pinf = jnp.full((16,), jnp.inf, jnp.float32)
    ninf = jnp.full((16,), -jnp.inf, jnp.float32)

    def initc(c, carry):
      gi = base + c * 16 + iota
      D[pl.ds(c * 16, 16)] = jnp.where(gi < _N, pinf, ninf)
      return carry

    lax.fori_loop(0, _NCH, initc, 0)

    def lane_sel(v0, v1, v2):
      return jnp.where(iota == 2, v0, jnp.where(iota == 3, v1, v2))

    two_i = jnp.full((16,), 2, jnp.int32)
    three_i = jnp.full((16,), 3, jnp.int32)
    four_i = jnp.full((16,), 4, jnp.int32)
    lane0 = iota == 0

    @pl.when(w == 0)
    def _():
      f0 = X0[pl.ds(0, 16)]
      f1 = X1[pl.ds(0, 16)]
      f2 = X2[pl.ds(0, 16)]
      plsc.store_scatter(rec, [two_i], f0, mask=lane0)
      plsc.store_scatter(rec, [three_i], f1, mask=lane0)
      plsc.store_scatter(rec, [four_i], f2, mask=lane0)
      pltpu.sync_copy(rec, merge.at[pl.ds(0, 16)])

    plsc.subcore_barrier()
    pltpu.sync_copy(merge.at[pl.ds(0, _NS * 16)], M)
    p0 = plsc.load_gather(M, [two_i])
    p1 = plsc.load_gather(M, [three_i])
    p2 = plsc.load_gather(M, [four_i])

    @pl.when(w == 0)
    def _():
      vals = jnp.where(iota == 0, p0, jnp.where(iota == 1, p1, p2))
      plsc.store_scatter(OUT, [iota], vals, mask=iota < 3)

    big_i = jnp.full((16,), 2**30, jnp.int32)
    big_f = jnp.full((16,), jnp.inf, jnp.float32)

    def itbody(i, p):
      p0, p1, p2 = p

      def upd(c, carry):
        m, midx = carry
        off = c * 16
        gi = off + iota
        t0 = X0[pl.ds(off, 16)] - p0
        t1 = X1[pl.ds(off, 16)] - p1
        t2 = X2[pl.ds(off, 16)] - p2
        d = t0 * t0 + t1 * t1 + t2 * t2
        nd = jnp.minimum(D[pl.ds(off, 16)], d)
        D[pl.ds(off, 16)] = nd
        better = nd > m
        tie = (nd == m) & (gi < midx)
        m = jnp.where(better, nd, m)
        midx = jnp.where(better | tie, gi, midx)
        return m, midx

      m, midx = plsc.parallel_loop(0, _NCH, unroll=98,
                                   carry=(ninf, zeros_i))(upd)

      bm = jnp.max(m)
      lidx = jnp.min(jnp.where(m == bm, midx, big_i))
      lidx_v = lidx + zeros_i
      cp0 = plsc.load_gather(X0, [lidx_v])
      cp1 = plsc.load_gather(X1, [lidx_v])
      cp2 = plsc.load_gather(X2, [lidx_v])
      gidx_f = (base + lidx).astype(jnp.float32)

      rec_v = jnp.where(iota == 0, bm, jnp.where(iota == 1, gidx_f,
                                                 lane_sel(cp0, cp1, cp2)))
      rec[...] = rec_v
      par = (i % 2) * (_NS * 16)
      pltpu.sync_copy(rec, merge.at[pl.ds(par + w * 16, 16)])
      plsc.subcore_barrier()

      pltpu.sync_copy(merge.at[pl.ds(par, _NS * 16)], M)
      maxv = plsc.load_gather(M, [iota * 16])
      gidxv = plsc.load_gather(M, [iota * 16 + 1])
      gbm = jnp.max(maxv)
      bidx_f = jnp.min(jnp.where(maxv == gbm, gidxv, big_f))
      wrow = plsc.all_reduce_ffs((maxv == gbm) & (gidxv == bidx_f))
      np0 = plsc.load_gather(M, [wrow * 16 + two_i])
      np1 = plsc.load_gather(M, [wrow * 16 + three_i])
      np2 = plsc.load_gather(M, [wrow * 16 + four_i])

      @pl.when(w == 0)
      def _():
        vals = jnp.where(iota == 0, np0, jnp.where(iota == 1, np1, np2))
        plsc.store_scatter(OUT, [i * 3 + iota], vals, mask=iota < 3)

      return (np0, np1, np2)

    lax.fori_loop(1, _K, itbody, (p0, p1, p2))

    @pl.when(w == 0)
    def _():
      pltpu.sync_copy(OUT, out_hbm)

  return _fps_sc


def kernel(x):
  xT = jnp.zeros((3, _NPAD), jnp.float32).at[:, :_N].set(x.T)
  return _build_fps_sc()(xT[0], xT[1], xT[2]).reshape(_K, 3)

# --- scband reference (transcript-rebuilt; emitter-appended) ---
"""Pipeline reference for scband-fpspool-layer-16484084483004 (READ-ONLY COPY).

The authoritative reference and input builder live on the scoring server;
editing this copy changes nothing except your own understanding.
"""

import jax, jax.numpy as jnp
import numpy as np

NB_VERTICES = 2048


def _fps(x, num_samples):
    # Farthest point sampling, deterministic start at index 0
    # (torch_geometric.nn.fps with random_start would pick a random seed point;
    # we fix it to 0 for reproducibility).
    N = x.shape[0]

    def body(i, carry):
        sel, dists, last = carry
        p = x[last]
        d = jnp.sum((x - p) ** 2, axis=1)
        dists = jnp.minimum(dists, d)
        nxt = jnp.argmax(dists).astype(jnp.int32)
        sel = sel.at[i].set(nxt)
        return (sel, dists, nxt)

    sel0 = jnp.zeros((num_samples,), dtype=jnp.int32)  # sel[0] = 0 (start point)
    init = (sel0, jnp.full((N,), jnp.inf, dtype=x.dtype), jnp.int32(0))
    sel, _, _ = jax.lax.fori_loop(1, num_samples, body, init)
    return sel


def setup_inputs(seed: int = 0) -> dict:
    key = jax.random.key(seed)
    x = jax.random.normal(key, (50000, 3), dtype=jnp.float32)
    return {"x": x}


def reference(x):
    # FPSPoolLayer.forward with batch=None:
    #   ratio = nb_vertices / x.size(0); ratio != 1 -> fps + gather
    # (the torch module returns (x, batch) with batch=None; we return the
    # pooled point tensor, which is the only array output).
    idx = _fps(x, NB_VERTICES)
    return x[idx]

if __name__ == "__main__":
    import jax
    _d = setup_inputs()
    print(jax.jit(kernel)(*tuple(_d.values())))

</pallas_src>

<mosaic_0001>
#map = affine_map<(d0, d1) -> (0)>
module attributes {stable_mosaic.version = 14 : i64} {
  func.func @_fps_sc(%arg0: i32, %arg1: i32, %arg2: memref<50176xf32, #tpu.memory_space<hbm>>, %arg3: memref<50176xf32, #tpu.memory_space<hbm>>, %arg4: memref<50176xf32, #tpu.memory_space<hbm>>, %arg5: memref<6144xf32, #tpu.memory_space<hbm>>, %arg6: memref<3136xf32, #tpu.memory_space<vmem>>, %arg7: memref<3136xf32, #tpu.memory_space<vmem>>, %arg8: memref<3136xf32, #tpu.memory_space<vmem>>, %arg9: memref<3136xf32, #tpu.memory_space<vmem>>, %arg10: memref<16xf32, #tpu.memory_space<vmem>>, %arg11: memref<256xf32, #tpu.memory_space<vmem>>, %arg12: memref<6144xf32, #tpu.memory_space<vmem>>, %arg13: memref<512xf32, #tpu.memory_space<vmem_shared>>) attributes {dimension_semantics = [#tpu.dimension_semantics<core_parallel>, #tpu.dimension_semantics<subcore_parallel>], iteration_bounds = array<i64: 1, 16>, scalar_prefetch = 0 : i64, scratch_operands = 8 : i64, tpu.core_type = #tpu.core_type<sc_vector_subcore>, window_params = [{transform_indices = #map}, {transform_indices = #map}, {transform_indices = #map}, {transform_indices = #map}]} {
    %mul3A = arith.constant 3136 : i32
    %mul3A_0 = arith.muli %arg1, %mul3A : i32
    %iota3A = tpu.iota {dimensions = array<i32: 0>} : vector<16xi32>
    %broadcast_in_dim3A = arith.constant 0 : i32
    %broadcast_in_dim3A_1 = vector.broadcast %broadcast_in_dim3A : i32 to vector<16xi32>
    "tpu.region"() ({
      %run_scoped3A = tpu.sem_alloc : memref<!tpu.dma_semaphore, #tpu.memory_space<semaphore_mem>>
      %dma_start3A = tpu.memref_slice %arg2[%mul3A_0] : memref<50176xf32, #tpu.memory_space<hbm>> -> memref<3136xf32, #tpu.memory_space<hbm>>
      %dma_start3A_44 = tpu.memref_slice %arg2[%mul3A_0] : memref<50176xf32, #tpu.memory_space<hbm>> -> memref<3136xf32, #tpu.memory_space<hbm>>
      tpu.enqueue_dma source(%dma_start3A_44 : memref<3136xf32, #tpu.memory_space<hbm>>) target(%arg6 : memref<3136xf32, #tpu.memory_space<vmem>>) target_semaphore(%run_scoped3A : memref<!tpu.dma_semaphore, #tpu.memory_space<semaphore_mem>>)
      %dma_wait3A = tpu.memref_slice %arg2[%mul3A_0] : memref<50176xf32, #tpu.memory_space<hbm>> -> memref<3136xf32, #tpu.memory_space<hbm>>
      %dma_wait3A_45 = tpu.memref_slice %arg2[%mul3A_0] : memref<50176xf32, #tpu.memory_space<hbm>> -> memref<3136xf32, #tpu.memory_space<hbm>>
      tpu.wait_dma2 semaphore(%run_scoped3A : memref<!tpu.dma_semaphore, #tpu.memory_space<semaphore_mem>>) src(%dma_wait3A_45 : memref<3136xf32, #tpu.memory_space<hbm>>) dst(%arg6 : memref<3136xf32, #tpu.memory_space<vmem>>)
      tpu.yield
    }) : () -> ()
    "tpu.region"() ({
      %run_scoped3A = tpu.sem_alloc : memref<!tpu.dma_semaphore, #tpu.memory_space<semaphore_mem>>
      %dma_start3A = tpu.memref_slice %arg3[%mul3A_0] : memref<50176xf32, #tpu.memory_space<hbm>> -> memref<3136xf32, #tpu.memory_space<hbm>>
      %dma_start3A_44 = tpu.memref_slice %arg3[%mul3A_0] : memref<50176xf32, #tpu.memory_space<hbm>> -> memref<3136xf32, #tpu.memory_space<hbm>>
      tpu.enqueue_dma source(%dma_start3A_44 : memref<3136xf32, #tpu.memory_space<hbm>>) target(%arg7 : memref<3136xf32, #tpu.memory_space<vmem>>) target_semaphore(%run_scoped3A : memref<!tpu.dma_semaphore, #tpu.memory_space<semaphore_mem>>)
      %dma_wait3A = tpu.memref_slice %arg3[%mul3A_0] : memref<50176xf32, #tpu.memory_space<hbm>> -> memref<3136xf32, #tpu.memory_space<hbm>>
      %dma_wait3A_45 = tpu.memref_slice %arg3[%mul3A_0] : memref<50176xf32, #tpu.memory_space<hbm>> -> memref<3136xf32, #tpu.memory_space<hbm>>
      tpu.wait_dma2 semaphore(%run_scoped3A : memref<!tpu.dma_semaphore, #tpu.memory_space<semaphore_mem>>) src(%dma_wait3A_45 : memref<3136xf32, #tpu.memory_space<hbm>>) dst(%arg7 : memref<3136xf32, #tpu.memory_space<vmem>>)
      tpu.yield
    }) : () -> ()
    "tpu.region"() ({
      %run_scoped3A = tpu.sem_alloc : memref<!tpu.dma_semaphore, #tpu.memory_space<semaphore_mem>>
      %dma_start3A = tpu.memref_slice %arg4[%mul3A_0] : memref<50176xf32, #tpu.memory_space<hbm>> -> memref<3136xf32, #tpu.memory_space<hbm>>
      %dma_start3A_44 = tpu.memref_slice %arg4[%mul3A_0] : memref<50176xf32, #tpu.memory_space<hbm>> -> memref<3136xf32, #tpu.memory_space<hbm>>
      tpu.enqueue_dma source(%dma_start3A_44 : memref<3136xf32, #tpu.memory_space<hbm>>) target(%arg8 : memref<3136xf32, #tpu.memory_space<vmem>>) target_semaphore(%run_scoped3A : memref<!tpu.dma_semaphore, #tpu.memory_space<semaphore_mem>>)
      %dma_wait3A = tpu.memref_slice %arg4[%mul3A_0] : memref<50176xf32, #tpu.memory_space<hbm>> -> memref<3136xf32, #tpu.memory_space<hbm>>
      %dma_wait3A_45 = tpu.memref_slice %arg4[%mul3A_0] : memref<50176xf32, #tpu.memory_space<hbm>> -> memref<3136xf32, #tpu.memory_space<hbm>>
      tpu.wait_dma2 semaphore(%run_scoped3A : memref<!tpu.dma_semaphore, #tpu.memory_space<semaphore_mem>>) src(%dma_wait3A_45 : memref<3136xf32, #tpu.memory_space<hbm>>) dst(%arg8 : memref<3136xf32, #tpu.memory_space<vmem>>)
      tpu.yield
    }) : () -> ()
    %broadcast_in_dim3A_2 = arith.constant 0x7F800000 : f32
    %broadcast_in_dim3A_3 = vector.broadcast %broadcast_in_dim3A_2 : f32 to vector<16xf32>
    %broadcast_in_dim3A_4 = arith.constant 0xFF800000 : f32
    %broadcast_in_dim3A_5 = vector.broadcast %broadcast_in_dim3A_4 : f32 to vector<16xf32>
    %scan3A = arith.constant 0 : i32
    %scan3A_6 = arith.constant 0 : i32
    %scan3A_7 = arith.constant 196 : i32
    %scan3A_8 = arith.addi %scan3A_6, %scan3A_7 : i32
    %scan3A_9 = arith.constant 1 : i32
    scf.for %scan3A_44 = %scan3A_6 to %scan3A_8 step %scan3A_9  : i32 {
      %mul3A_45 = arith.constant 16 : i32
      %mul3A_46 = arith.muli %scan3A_44, %mul3A_45 : i32
      %add3A = arith.addi %mul3A_0, %mul3A_46 : i32
      %add3A_47 = vector.broadcast %add3A : i32 to vector<16xi32>
      %add3A_48 = arith.addi %add3A_47, %iota3A : vector<16xi32>
      %lt3A = arith.constant 50000 : i32
      %lt3A_49 = vector.broadcast %lt3A : i32 to vector<16xi32>
      %lt3A_50 = arith.cmpi slt, %add3A_48, %lt3A_49 : vector<16xi32>
      %select_n3A = arith.select %lt3A_50, %broadcast_in_dim3A_3, %broadcast_in_dim3A_5 : vector<16xi1>, vector<16xf32>
      %mul3A_51 = arith.constant 16 : i32
      %mul3A_52 = arith.muli %scan3A_44, %mul3A_51 : i32
      %swap3A = arith.index_cast %mul3A_52 : i32 to index
      %swap3A_53 = tpu.vector_load %arg9[%swap3A] {strides = array<i32>} : memref<3136xf32, #tpu.memory_space<vmem>>, vector<16xf32>,
      tpu.vector_store %arg9[%swap3A], %select_n3A {strides = array<i32>} : memref<3136xf32, #tpu.memory_space<vmem>>, vector<16xf32>,
    }
    %scan3A_10 = arith.constant 196 : i32
    %broadcast_in_dim3A_11 = arith.constant 2 : i32
    %broadcast_in_dim3A_12 = vector.broadcast %broadcast_in_dim3A_11 : i32 to vector<16xi32>
    %broadcast_in_dim3A_13 = arith.constant 3 : i32
    %broadcast_in_dim3A_14 = vector.broadcast %broadcast_in_dim3A_13 : i32 to vector<16xi32>
    %broadcast_in_dim3A_15 = arith.constant 4 : i32
    %broadcast_in_dim3A_16 = vector.broadcast %broadcast_in_dim3A_15 : i32 to vector<16xi32>
    %eq3A = arith.constant 0 : i32
    %eq3A_17 = vector.broadcast %eq3A : i32 to vector<16xi32>
    %eq3A_18 = arith.cmpi eq, %iota3A, %eq3A_17 : vector<16xi32>
    %eq3A_19 = arith.constant 0 : i32
    %eq3A_20 = arith.cmpi eq, %arg1, %eq3A_19 : i32
    %convert_element_type3A = arith.extui %eq3A_20 : i1 to i32
    %cond3A = arith.constant 0 : i32
    %cond3A_21 = arith.cmpi ne, %convert_element_type3A, %cond3A : i32
    scf.if %cond3A_21 {
      %get3A = arith.constant 0 : index
      %get3A_44 = tpu.vector_load %arg6[%get3A] {strides = array<i32>} : memref<3136xf32, #tpu.memory_space<vmem>>, vector<16xf32>,
      %get3A_45 = arith.constant 0 : index
      %get3A_46 = tpu.vector_load %arg7[%get3A_45] {strides = array<i32>} : memref<3136xf32, #tpu.memory_space<vmem>>, vector<16xf32>,
      %get3A_47 = arith.constant 0 : index
      %get3A_48 = tpu.vector_load %arg8[%get3A_47] {strides = array<i32>} : memref<3136xf32, #tpu.memory_space<vmem>>, vector<16xf32>,
      tpu.vector_store_idx %arg10[%broadcast_in_dim3A_12], %get3A_44 masked %eq3A_18 : memref<16xf32, #tpu.memory_space<vmem>>[vector<16xi32>], vector<16xf32>, vector<16xi1>
      tpu.vector_store_idx %arg10[%broadcast_in_dim3A_14], %get3A_46 masked %eq3A_18 : memref<16xf32, #tpu.memory_space<vmem>>[vector<16xi32>], vector<16xf32>, vector<16xi1>
      tpu.vector_store_idx %arg10[%broadcast_in_dim3A_16], %get3A_48 masked %eq3A_18 : memref<16xf32, #tpu.memory_space<vmem>>[vector<16xi32>], vector<16xf32>, vector<16xi1>
      "tpu.region"() ({
        %run_scoped3A = tpu.sem_alloc : memref<!tpu.dma_semaphore, #tpu.memory_space<semaphore_mem>>
        %dma_start3A = arith.constant 0 : i32
        %dma_start3A_49 = tpu.memref_slice %arg13[%dma_start3A] : memref<512xf32, #tpu.memory_space<vmem_shared>> -> memref<16xf32, #tpu.memory_space<vmem_shared>>
        %dma_start3A_50 = arith.constant 0 : i32
        %dma_start3A_51 = tpu.memref_slice %arg13[%dma_start3A_50] : memref<512xf32, #tpu.memory_space<vmem_shared>> -> memref<16xf32, #tpu.memory_space<vmem_shared>>
        tpu.enqueue_dma source(%arg10 : memref<16xf32, #tpu.memory_space<vmem>>) target(%dma_start3A_51 : memref<16xf32, #tpu.memory_space<vmem_shared>>) target_semaphore(%run_scoped3A : memref<!tpu.dma_semaphore, #tpu.memory_space<semaphore_mem>>)
        %dma_wait3A = arith.constant 0 : i32
        %dma_wait3A_52 = tpu.memref_slice %arg13[%dma_wait3A] : memref<512xf32, #tpu.memory_space<vmem_shared>> -> memref<16xf32, #tpu.memory_space<vmem_shared>>
        %dma_wait3A_53 = arith.constant 0 : i32
        %dma_wait3A_54 = tpu.memref_slice %arg13[%dma_wait3A_53] : memref<512xf32, #tpu.memory_space<vmem_shared>> -> memref<16xf32, #tpu.memory_space<vmem_shared>>
        tpu.wait_dma2 semaphore(%run_scoped3A : memref<!tpu.dma_semaphore, #tpu.memory_space<semaphore_mem>>) src(%arg10 : memref<16xf32, #tpu.memory_space<vmem>>) dst(%dma_wait3A_54 : memref<16xf32, #tpu.memory_space<vmem_shared>>)
        tpu.yield
      }) : () -> ()
    } else {
    }
    %barrier3A = arith.constant 0 : index
    tpu.barrier barrier_id(%barrier3A)
    "tpu.region"() ({
      %run_scoped3A = tpu.sem_alloc : memref<!tpu.dma_semaphore, #tpu.memory_space<semaphore_mem>>
      %dma_start3A = arith.constant 0 : i32
      %dma_start3A_44 = tpu.memref_slice %arg13[%dma_start3A] : memref<512xf32, #tpu.memory_space<vmem_shared>> -> memref<256xf32, #tpu.memory_space<vmem_shared>>
      %dma_start3A_45 = arith.constant 0 : i32
      %dma_start3A_46 = tpu.memref_slice %arg13[%dma_start3A_45] : memref<512xf32, #tpu.memory_space<vmem_shared>> -> memref<256xf32, #tpu.memory_space<vmem_shared>>
      tpu.enqueue_dma source(%dma_start3A_46 : memref<256xf32, #tpu.memory_space<vmem_shared>>) target(%arg11 : memref<256xf32, #tpu.memory_space<vmem>>) target_semaphore(%run_scoped3A : memref<!tpu.dma_semaphore, #tpu.memory_space<semaphore_mem>>)
      %dma_wait3A = arith.constant 0 : i32
      %dma_wait3A_47 = tpu.memref_slice %arg13[%dma_wait3A] : memref<512xf32, #tpu.memory_space<vmem_shared>> -> memref<256xf32, #tpu.memory_space<vmem_shared>>
      %dma_wait3A_48 = arith.constant 0 : i32
      %dma_wait3A_49 = tpu.memref_slice %arg13[%dma_wait3A_48] : memref<512xf32, #tpu.memory_space<vmem_shared>> -> memref<256xf32, #tpu.memory_space<vmem_shared>>
      tpu.wait_dma2 semaphore(%run_scoped3A : memref<!tpu.dma_semaphore, #tpu.memory_space<semaphore_mem>>) src(%dma_wait3A_49 : memref<256xf32, #tpu.memory_space<vmem_shared>>) dst(%arg11 : memref<256xf32, #tpu.memory_space<vmem>>)
      tpu.yield
    }) : () -> ()
    %gather3A = tpu.vector_load_idx %arg11[%broadcast_in_dim3A_12] : memref<256xf32, #tpu.memory_space<vmem>>[vector<16xi32>], vector<16xf32>,
    %gather3A_22 = tpu.vector_load_idx %arg11[%broadcast_in_dim3A_14] : memref<256xf32, #tpu.memory_space<vmem>>[vector<16xi32>], vector<16xf32>,
    %gather3A_23 = tpu.vector_load_idx %arg11[%broadcast_in_dim3A_16] : memref<256xf32, #tpu.memory_space<vmem>>[vector<16xi32>], vector<16xf32>,
    %eq3A_24 = arith.constant 0 : i32
    %eq3A_25 = arith.cmpi eq, %arg1, %eq3A_24 : i32
    %convert_element_type3A_26 = arith.extui %eq3A_25 : i1 to i32
    %cond3A_27 = arith.constant 0 : i32
    %cond3A_28 = arith.cmpi ne, %convert_element_type3A_26, %cond3A_27 : i32
    scf.if %cond3A_28 {
      %eq3A_44 = arith.constant 0 : i32
      %eq3A_45 = vector.broadcast %eq3A_44 : i32 to vector<16xi32>
      %eq3A_46 = arith.cmpi eq, %iota3A, %eq3A_45 : vector<16xi32>
      %eq3A_47 = arith.constant 1 : i32
      %eq3A_48 = vector.broadcast %eq3A_47 : i32 to vector<16xi32>
      %eq3A_49 = arith.cmpi eq, %iota3A, %eq3A_48 : vector<16xi32>
      %select_n3A = arith.select %eq3A_49, %gather3A_22, %gather3A_23 : vector<16xi1>, vector<16xf32>
      %select_n3A_50 = arith.select %eq3A_46, %gather3A, %select_n3A : vector<16xi1>, vector<16xf32>
      %lt3A = arith.constant 3 : i32
      %lt3A_51 = vector.broadcast %lt3A : i32 to vector<16xi32>
      %lt3A_52 = arith.cmpi slt, %iota3A, %lt3A_51 : vector<16xi32>
      tpu.vector_store_idx %arg12[%iota3A], %select_n3A_50 masked %lt3A_52 : memref<6144xf32, #tpu.memory_space<vmem>>[vector<16xi32>], vector<16xf32>, vector<16xi1>
    } else {
    }
    %broadcast_in_dim3A_29 = arith.constant 1073741824 : i32
    %broadcast_in_dim3A_30 = vector.broadcast %broadcast_in_dim3A_29 : i32 to vector<16xi32>
    %broadcast_in_dim3A_31 = arith.constant 0x7F800000 : f32
    %broadcast_in_dim3A_32 = vector.broadcast %broadcast_in_dim3A_31 : f32 to vector<16xf32>
    %scan3A_33 = arith.constant 1 : i32
    %scan3A_34 = arith.constant 2047 : i32
    %scan3A_35 = arith.addi %scan3A_33, %scan3A_34 : i32
    %scan3A_36 = arith.constant 1 : i32
    %scan3A_37:3 = scf.for %scan3A_44 = %scan3A_33 to %scan3A_35 step %scan3A_36 iter_args(%scan3A_45 = %gather3A, %scan3A_46 = %gather3A_22, %scan3A_47 = %gather3A_23) -> (vector<16xf32>, vector<16xf32>, vector<16xf32>)  : i32 {
      %parallel_loop3A = arith.constant 0 : i32
      %parallel_loop3A_48 = arith.constant 196 : i32
      %parallel_loop3A_49 = arith.constant 1 : i32
      %parallel_loop3A_50:2 = scf.for %parallel_loop3A_152 = %parallel_loop3A to %parallel_loop3A_48 step %parallel_loop3A_49 iter_args(%parallel_loop3A_153 = %broadcast_in_dim3A_5, %parallel_loop3A_154 = %broadcast_in_dim3A_1) -> (vector<16xf32>, vector<16xi32>)  : i32 {
        %parallel_loop3A_155 = arith.constant 16 : i32
        %parallel_loop3A_156 = arith.muli %parallel_loop3A_152, %parallel_loop3A_155 : i32
        %parallel_loop3A_157 = vector.broadcast %parallel_loop3A_156 : i32 to vector<16xi32>
        %parallel_loop3A_158 = arith.addi %parallel_loop3A_157, %iota3A : vector<16xi32>
        %parallel_loop3A_159 = arith.index_cast %parallel_loop3A_156 : i32 to index
        %parallel_loop3A_160 = tpu.vector_load %arg6[%parallel_loop3A_159] {strides = array<i32>} : memref<3136xf32, #tpu.memory_space<vmem>>, vector<16xf32>,
        %parallel_loop3A_161 = arith.subf %parallel_loop3A_160, %scan3A_45 : vector<16xf32>
        %parallel_loop3A_162 = arith.index_cast %parallel_loop3A_156 : i32 to index
        %parallel_loop3A_163 = tpu.vector_load %arg7[%parallel_loop3A_162] {strides = array<i32>} : memref<3136xf32, #tpu.memory_space<vmem>>, vector<16xf32>,
        %parallel_loop3A_164 = arith.subf %parallel_loop3A_163, %scan3A_46 : vector<16xf32>
        %parallel_loop3A_165 = arith.index_cast %parallel_loop3A_156 : i32 to index
        %parallel_loop3A_166 = tpu.vector_load %arg8[%parallel_loop3A_165] {strides = array<i32>} : memref<3136xf32, #tpu.memory_space<vmem>>, vector<16xf32>,
        %parallel_loop3A_167 = arith.subf %parallel_loop3A_166, %scan3A_47 : vector<16xf32>
        %parallel_loop3A_168 = arith.mulf %parallel_loop3A_161, %parallel_loop3A_161 : vector<16xf32>
        %parallel_loop3A_169 = arith.mulf %parallel_loop3A_164, %parallel_loop3A_164 : vector<16xf32>
        %parallel_loop3A_170 = arith.addf %parallel_loop3A_168, %parallel_loop3A_169 : vector<16xf32>
        %parallel_loop3A_171 = arith.mulf %parallel_loop3A_167, %parallel_loop3A_167 : vector<16xf32>
        %parallel_loop3A_172 = arith.addf %parallel_loop3A_170, %parallel_loop3A_171 : vector<16xf32>
        %parallel_loop3A_173 = arith.index_cast %parallel_loop3A_156 : i32 to index
        %parallel_loop3A_174 = tpu.vector_load %arg9[%parallel_loop3A_173] {strides = array<i32>} : memref<3136xf32, #tpu.memory_space<vmem>>, vector<16xf32>,
        %parallel_loop3A_175 = arith.minimumf %parallel_loop3A_174, %parallel_loop3A_172 : vector<16xf32>
        %parallel_loop3A_176 = arith.index_cast %parallel_loop3A_156 : i32 to index
        %parallel_loop3A_177 = tpu.vector_load %arg9[%parallel_loop3A_176] {strides = array<i32>} : memref<3136xf32, #tpu.memory_space<vmem>>, vector<16xf32>,
        tpu.vector_store %arg9[%parallel_loop3A_176], %parallel_loop3A_175 {strides = array<i32>} : memref<3136xf32, #tpu.memory_space<vmem>>, vector<16xf32>,
        %parallel_loop3A_178 = arith.cmpf ogt, %parallel_loop3A_175, %parallel_loop3A_153 : vector<16xf32>
        %parallel_loop3A_179 = arith.cmpf oeq, %parallel_loop3A_175, %parallel_loop3A_153 : vector<16xf32>
        %parallel_loop3A_180 = arith.cmpi slt, %parallel_loop3A_158, %parallel_loop3A_154 : vector<16xi32>
        %parallel_loop3A_181 = arith.andi %parallel_loop3A_179, %parallel_loop3A_180 : vector<16xi1>
        %parallel_loop3A_182 = arith.select %parallel_loop3A_178, %parallel_loop3A_175, %parallel_loop3A_153 : vector<16xi1>, vector<16xf32>
        %parallel_loop3A_183 = arith.ori %parallel_loop3A_178, %parallel_loop3A_181 : vector<16xi1>
        %parallel_loop3A_184 = arith.select %parallel_loop3A_183, %parallel_loop3A_158, %parallel_loop3A_154 : vector<16xi1>, vector<16xi32>
        scf.yield %parallel_loop3A_182, %parallel_loop3A_184 : vector<16xf32>, vector<16xi32>
      } {sc.loop_unroll_factor = 98 : i64, sc.parallel_access}
      %reduce_max3A = arith.constant true
      %reduce_max3A_51 = vector.broadcast %reduce_max3A : i1 to vector<16xi1>
      %reduce_max3A_52 = tpu.scan <max>, %parallel_loop3A_50#0 masked %reduce_max3A_51 : vector<16xf32>, vector<16xi1> -> vector<16xf32>
      %reduce_max3A_53 = vector.extract %reduce_max3A_52[15] : f32 from vector<16xf32>
      %eq3A_54 = vector.broadcast %reduce_max3A_53 : f32 to vector<16xf32>
      %eq3A_55 = arith.cmpf oeq, %parallel_loop3A_50#0, %eq3A_54 : vector<16xf32>
      %select_n3A = arith.select %eq3A_55, %parallel_loop3A_50#1, %broadcast_in_dim3A_30 : vector<16xi1>, vector<16xi32>
      %reduce_min3A = arith.constant true
      %reduce_min3A_56 = vector.broadcast %reduce_min3A : i1 to vector<16xi1>
      %reduce_min3A_57 = arith.constant -2147483648 : i32
      %reduce_min3A_58 = vector.broadcast %reduce_min3A_57 : i32 to vector<16xi32>
      %reduce_min3A_59 = arith.xori %select_n3A, %reduce_min3A_58 : vector<16xi32>
      %reduce_min3A_60 = tpu.scan <min>, %reduce_min3A_59 masked %reduce_min3A_56 : vector<16xi32>, vector<16xi1> -> vector<16xi32>
      %reduce_min3A_61 = arith.xori %reduce_min3A_60, %reduce_min3A_58 : vector<16xi32>
      %reduce_min3A_62 = vector.extract %reduce_min3A_61[15] : i32 from vector<16xi32>
      %add3A = vector.broadcast %reduce_min3A_62 : i32 to vector<16xi32>
      %add3A_63 = arith.addi %add3A, %broadcast_in_dim3A_1 : vector<16xi32>
      %gather3A_64 = tpu.vector_load_idx %arg6[%add3A_63] : memref<3136xf32, #tpu.memory_space<vmem>>[vector<16xi32>], vector<16xf32>,
      %gather3A_65 = tpu.vector_load_idx %arg7[%add3A_63] : memref<3136xf32, #tpu.memory_space<vmem>>[vector<16xi32>], vector<16xf32>,
      %gather3A_66 = tpu.vector_load_idx %arg8[%add3A_63] : memref<3136xf32, #tpu.memory_space<vmem>>[vector<16xi32>], vector<16xf32>,
      %add3A_67 = arith.addi %mul3A_0, %reduce_min3A_62 : i32
      %convert_element_type3A_68 = arith.sitofp %add3A_67 : i32 to f32
      %eq3A_69 = arith.constant 0 : i32
      %eq3A_70 = vector.broadcast %eq3A_69 : i32 to vector<16xi32>
      %eq3A_71 = arith.cmpi eq, %iota3A, %eq3A_70 : vector<16xi32>
      %eq3A_72 = arith.constant 1 : i32
      %eq3A_73 = vector.broadcast %eq3A_72 : i32 to vector<16xi32>
      %eq3A_74 = arith.cmpi eq, %iota3A, %eq3A_73 : vector<16xi32>
      %eq3A_75 = arith.constant 2 : i32
      %eq3A_76 = vector.broadcast %eq3A_75 : i32 to vector<16xi32>
      %eq3A_77 = arith.cmpi eq, %iota3A, %eq3A_76 : vector<16xi32>
      %eq3A_78 = arith.constant 3 : i32
      %eq3A_79 = vector.broadcast %eq3A_78 : i32 to vector<16xi32>
      %eq3A_80 = arith.cmpi eq, %iota3A, %eq3A_79 : vector<16xi32>
      %select_n3A_81 = arith.select %eq3A_80, %gather3A_65, %gather3A_66 : vector<16xi1>, vector<16xf32>
      %select_n3A_82 = arith.select %eq3A_77, %gather3A_64, %select_n3A_81 : vector<16xi1>, vector<16xf32>
      %broadcast_in_dim3A_83 = vector.broadcast %convert_element_type3A_68 : f32 to vector<16xf32>
      %select_n3A_84 = arith.select %eq3A_74, %broadcast_in_dim3A_83, %select_n3A_82 : vector<16xi1>, vector<16xf32>
      %broadcast_in_dim3A_85 = vector.broadcast %reduce_max3A_53 : f32 to vector<16xf32>
      %select_n3A_86 = arith.select %eq3A_71, %broadcast_in_dim3A_85, %select_n3A_84 : vector<16xi1>, vector<16xf32>
      %swap3A = arith.constant 0 : index
      %swap3A_87 = tpu.vector_load %arg10[%swap3A] {strides = array<i32>} : memref<16xf32, #tpu.memory_space<vmem>>, vector<16xf32>,
      tpu.vector_store %arg10[%swap3A], %select_n3A_86 {strides = array<i32>} : memref<16xf32, #tpu.memory_space<vmem>>, vector<16xf32>,
      %jit3A = arith.constant 2 : i32
      %eq3A_88 = arith.constant 0 : i32
      %eq3A_89 = arith.cmpi eq, %jit3A, %eq3A_88 : i32
      %jit3A_90 = arith.constant 1 : i32
      %select_n3A_91 = arith.select %eq3A_89, %jit3A_90, %jit3A : i32
      %rem3A = arith.remsi %scan3A_44, %select_n3A_91 : i32
      %ne3A = arith.constant 0 : i32
      %ne3A_92 = arith.cmpi ne, %rem3A, %ne3A : i32
      %lt3A = arith.constant 0 : i32
      %lt3A_93 = arith.cmpi slt, %rem3A, %lt3A : i32
      %lt3A_94 = arith.constant 0 : i32
      %lt3A_95 = arith.cmpi slt, %select_n3A_91, %lt3A_94 : i32
      %ne3A_96 = arith.xori %lt3A_93, %lt3A_95 : i1
      %and3A = arith.andi %ne3A_96, %ne3A_92 : i1
      %add3A_97 = arith.addi %rem3A, %select_n3A_91 : i32
      %select_n3A_98 = arith.select %and3A, %add3A_97, %rem3A : i32
      %mul3A_99 = arith.constant 256 : i32
      %mul3A_100 = arith.muli %select_n3A_98, %mul3A_99 : i32
      %mul3A_101 = arith.constant 16 : i32
      %mul3A_102 = arith.muli %arg1, %mul3A_101 : i32
      %add3A_103 = arith.addi %mul3A_100, %mul3A_102 : i32
      "tpu.region"() ({
        %run_scoped3A = tpu.sem_alloc : memref<!tpu.dma_semaphore, #tpu.memory_space<semaphore_mem>>
        %dma_start3A = tpu.memref_slice %arg13[%add3A_103] : memref<512xf32, #tpu.memory_space<vmem_shared>> -> memref<16xf32, #tpu.memory_space<vmem_shared>>
        %dma_start3A_152 = tpu.memref_slice %arg13[%add3A_103] : memref<512xf32, #tpu.memory_space<vmem_shared>> -> memref<16xf32, #tpu.memory_space<vmem_shared>>
        tpu.enqueue_dma source(%arg10 : memref<16xf32, #tpu.memory_space<vmem>>) target(%dma_start3A_152 : memref<16xf32, #tpu.memory_space<vmem_shared>>) target_semaphore(%run_scoped3A : memref<!tpu.dma_semaphore, #tpu.memory_space<semaphore_mem>>)
        %dma_wait3A = tpu.memref_slice %arg13[%add3A_103] : memref<512xf32, #tpu.memory_space<vmem_shared>> -> memref<16xf32, #tpu.memory_space<vmem_shared>>
        %dma_wait3A_153 = tpu.memref_slice %arg13[%add3A_103] : memref<512xf32, #tpu.memory_space<vmem_shared>> -> memref<16xf32, #tpu.memory_space<vmem_shared>>
        tpu.wait_dma2 semaphore(%run_scoped3A : memref<!tpu.dma_semaphore, #tpu.memory_space<semaphore_mem>>) src(%arg10 : memref<16xf32, #tpu.memory_space<vmem>>) dst(%dma_wait3A_153 : memref<16xf32, #tpu.memory_space<vmem_shared>>)
        tpu.yield
      }) : () -> ()
      %barrier3A_104 = arith.constant 0 : index
      tpu.barrier barrier_id(%barrier3A_104)
      "tpu.region"() ({
        %run_scoped3A = tpu.sem_alloc : memref<!tpu.dma_semaphore, #tpu.memory_space<semaphore_mem>>
        %dma_start3A = tpu.memref_slice %arg13[%mul3A_100] : memref<512xf32, #tpu.memory_space<vmem_shared>> -> memref<256xf32, #tpu.memory_space<vmem_shared>>
        %dma_start3A_152 = tpu.memref_slice %arg13[%mul3A_100] : memref<512xf32, #tpu.memory_space<vmem_shared>> -> memref<256xf32, #tpu.memory_space<vmem_shared>>
        tpu.enqueue_dma source(%dma_start3A_152 : memref<256xf32, #tpu.memory_space<vmem_shared>>) target(%arg11 : memref<256xf32, #tpu.memory_space<vmem>>) target_semaphore(%run_scoped3A : memref<!tpu.dma_semaphore, #tpu.memory_space<semaphore_mem>>)
        %dma_wait3A = tpu.memref_slice %arg13[%mul3A_100] : memref<512xf32, #tpu.memory_space<vmem_shared>> -> memref<256xf32, #tpu.memory_space<vmem_shared>>
        %dma_wait3A_153 = tpu.memref_slice %arg13[%mul3A_100] : memref<512xf32, #tpu.memory_space<vmem_shared>> -> memref<256xf32, #tpu.memory_space<vmem_shared>>
        tpu.wait_dma2 semaphore(%run_scoped3A : memref<!tpu.dma_semaphore, #tpu.memory_space<semaphore_mem>>) src(%dma_wait3A_153 : memref<256xf32, #tpu.memory_space<vmem_shared>>) dst(%arg11 : memref<256xf32, #tpu.memory_space<vmem>>)
        tpu.yield
      }) : () -> ()
      %mul3A_105 = arith.constant 16 : i32
      %mul3A_106 = vector.broadcast %mul3A_105 : i32 to vector<16xi32>
      %mul3A_107 = arith.muli %iota3A, %mul3A_106 : vector<16xi32>
      %gather3A_108 = tpu.vector_load_idx %arg11[%mul3A_107] : memref<256xf32, #tpu.memory_space<vmem>>[vector<16xi32>], vector<16xf32>,
      %mul3A_109 = arith.constant 16 : i32
      %mul3A_110 = vector.broadcast %mul3A_109 : i32 to vector<16xi32>
      %mul3A_111 = arith.muli %iota3A, %mul3A_110 : vector<16xi32>
      %add3A_112 = arith.constant 1 : i32
      %add3A_113 = vector.broadcast %add3A_112 : i32 to vector<16xi32>
      %add3A_114 = arith.addi %mul3A_111, %add3A_113 : vector<16xi32>
      %gather3A_115 = tpu.vector_load_idx %arg11[%add3A_114] : memref<256xf32, #tpu.memory_space<vmem>>[vector<16xi32>], vector<16xf32>,
      %reduce_max3A_116 = arith.constant true
      %reduce_max3A_117 = vector.broadcast %reduce_max3A_116 : i1 to vector<16xi1>
      %reduce_max3A_118 = tpu.scan <max>, %gather3A_108 masked %reduce_max3A_117 : vector<16xf32>, vector<16xi1> -> vector<16xf32>
      %reduce_max3A_119 = vector.extract %reduce_max3A_118[15] : f32 from vector<16xf32>
      %eq3A_120 = vector.broadcast %reduce_max3A_119 : f32 to vector<16xf32>
      %eq3A_121 = arith.cmpf oeq, %gather3A_108, %eq3A_120 : vector<16xf32>
      %select_n3A_122 = arith.select %eq3A_121, %gather3A_115, %broadcast_in_dim3A_32 : vector<16xi1>, vector<16xf32>
      %reduce_min3A_123 = arith.constant true
      %reduce_min3A_124 = vector.broadcast %reduce_min3A_123 : i1 to vector<16xi1>
      %reduce_min3A_125 = tpu.scan <min>, %select_n3A_122 masked %reduce_min3A_124 : vector<16xf32>, vector<16xi1> -> vector<16xf32>
      %reduce_min3A_126 = vector.extract %reduce_min3A_125[15] : f32 from vector<16xf32>
      %eq3A_127 = vector.broadcast %reduce_max3A_119 : f32 to vector<16xf32>
      %eq3A_128 = arith.cmpf oeq, %gather3A_108, %eq3A_127 : vector<16xf32>
      %eq3A_129 = vector.broadcast %reduce_min3A_126 : f32 to vector<16xf32>
      %eq3A_130 = arith.cmpf oeq, %gather3A_115, %eq3A_129 : vector<16xf32>
      %and3A_131 = arith.andi %eq3A_128, %eq3A_130 : vector<16xi1>
      %all_reduce_ffs3A = tpu.all_reduce %and3A_131 {dim = 0 : i64, kind = #tpu.reduction_kind<find_first_set>} : vector<16xi1> -> vector<16xi32>
      %mul3A_132 = arith.constant 16 : i32
      %mul3A_133 = vector.broadcast %mul3A_132 : i32 to vector<16xi32>
      %mul3A_134 = arith.muli %all_reduce_ffs3A, %mul3A_133 : vector<16xi32>
      %add3A_135 = arith.addi %mul3A_134, %broadcast_in_dim3A_12 : vector<16xi32>
      %gather3A_136 = tpu.vector_load_idx %arg11[%add3A_135] : memref<256xf32, #tpu.memory_space<vmem>>[vector<16xi32>], vector<16xf32>,
      %mul3A_137 = arith.constant 16 : i32
      %mul3A_138 = vector.broadcast %mul3A_137 : i32 to vector<16xi32>
      %mul3A_139 = arith.muli %all_reduce_ffs3A, %mul3A_138 : vector<16xi32>
      %add3A_140 = arith.addi %mul3A_139, %broadcast_in_dim3A_14 : vector<16xi32>
      %gather3A_141 = tpu.vector_load_idx %arg11[%add3A_140] : memref<256xf32, #tpu.memory_space<vmem>>[vector<16xi32>], vector<16xf32>,
      %mul3A_142 = arith.constant 16 : i32
      %mul3A_143 = vector.broadcast %mul3A_142 : i32 to vector<16xi32>
      %mul3A_144 = arith.muli %all_reduce_ffs3A, %mul3A_143 : vector<16xi32>
      %add3A_145 = arith.addi %mul3A_144, %broadcast_in_dim3A_16 : vector<16xi32>
      %gather3A_146 = tpu.vector_load_idx %arg11[%add3A_145] : memref<256xf32, #tpu.memory_space<vmem>>[vector<16xi32>], vector<16xf32>,
      %eq3A_147 = arith.constant 0 : i32
      %eq3A_148 = arith.cmpi eq, %arg1, %eq3A_147 : i32
      %convert_element_type3A_149 = arith.extui %eq3A_148 : i1 to i32
      %cond3A_150 = arith.constant 0 : i32
      %cond3A_151 = arith.cmpi ne, %convert_element_type3A_149, %cond3A_150 : i32
      scf.if %cond3A_151 {
        %eq3A_152 = arith.constant 0 : i32
        %eq3A_153 = vector.broadcast %eq3A_152 : i32 to vector<16xi32>
        %eq3A_154 = arith.cmpi eq, %iota3A, %eq3A_153 : vector<16xi32>
        %eq3A_155 = arith.constant 1 : i32
        %eq3A_156 = vector.broadcast %eq3A_155 : i32 to vector<16xi32>
        %eq3A_157 = arith.cmpi eq, %iota3A, %eq3A_156 : vector<16xi32>
        %select_n3A_158 = arith.select %eq3A_157, %gather3A_141, %gather3A_146 : vector<16xi1>, vector<16xf32>
        %select_n3A_159 = arith.select %eq3A_154, %gather3A_136, %select_n3A_158 : vector<16xi1>, vector<16xf32>
        %mul3A_160 = arith.constant 3 : i32
        %mul3A_161 = arith.muli %scan3A_44, %mul3A_160 : i32
        %add3A_162 = vector.broadcast %mul3A_161 : i32 to vector<16xi32>
        %add3A_163 = arith.addi %add3A_162, %iota3A : vector<16xi32>
        %lt3A_164 = arith.constant 3 : i32
        %lt3A_165 = vector.broadcast %lt3A_164 : i32 to vector<16xi32>
        %lt3A_166 = arith.cmpi slt, %iota3A, %lt3A_165 : vector<16xi32>
        tpu.vector_store_idx %arg12[%add3A_163], %select_n3A_159 masked %lt3A_166 : memref<6144xf32, #tpu.memory_space<vmem>>[vector<16xi32>], vector<16xf32>, vector<16xi1>
      } else {
      }
      scf.yield %gather3A_136, %gather3A_141, %gather3A_146 : vector<16xf32>, vector<16xf32>, vector<16xf32>
    }
    %scan3A_38 = arith.constant 2047 : i32
    %eq3A_39 = arith.constant 0 : i32
    %eq3A_40 = arith.cmpi eq, %arg1, %eq3A_39 : i32
    %convert_element_type3A_41 = arith.extui %eq3A_40 : i1 to i32
    %cond3A_42 = arith.constant 0 : i32
    %cond3A_43 = arith.cmpi ne, %convert_element_type3A_41, %cond3A_42 : i32
    scf.if %cond3A_43 {
      "tpu.region"() ({
        %run_scoped3A = tpu.sem_alloc : memref<!tpu.dma_semaphore, #tpu.memory_space<semaphore_mem>>
        tpu.enqueue_dma source(%arg12 : memref<6144xf32, #tpu.memory_space<vmem>>) target(%arg5 : memref<6144xf32, #tpu.memory_space<hbm>>) target_semaphore(%run_scoped3A : memref<!tpu.dma_semaphore, #tpu.memory_space<semaphore_mem>>)
        tpu.wait_dma2 semaphore(%run_scoped3A : memref<!tpu.dma_semaphore, #tpu.memory_space<semaphore_mem>>) src(%arg12 : memref<6144xf32, #tpu.memory_space<vmem>>) dst(%arg5 : memref<6144xf32, #tpu.memory_space<hbm>>)
        tpu.yield
      }) : () -> ()
    } else {
    }
    return
  }
}

</mosaic_0001>

<sc_bundles>
// kernel: kernel.3.cloned.1.call-start
scs
__scs_entry_jumppad:
0x0: {  	(pc) =	sbr.rel $0x88, $3  }
0x1: {  	(tag) =	ssettag $0x0;
	lr =	simm.s32 $0x1  }
0x2: {  	[smem:$0x3FA0] =	sst lr;
	_ =	strace $0xD0000000  }
0x3: {  	_ = 	snop  }
0x4: {  	_ = 	snop  }
0x5: {  	_ = 	snop  }
0x6: {  	_ = 	snop  }
0x7: {  	_ = 	snop  }
__scs_overlays_trampoline_lowered:
0x8: {  	[smem:$0x3FAF] =	sst s0  }
0x9: {  	[smem:$0x3FB0] =	sst s1  }
0xa: {  	[smem:$0x3FB1] =	sst s2  }
0xb: {  	[smem:$0x3FB2] =	sst s3  }
0xc: {  	[smem:$0x3FB3] =	sst s4  }
0xd: {  	[smem:$0x3FB4] =	sst s5  }
0xe: {  	[smem:$0x3FB5] =	sst s6  }
0xf: {  	[smem:$0x3FB6] =	sst s7  }
0x10: {  	[smem:$0x3FB7] =	sst s8  }
0x11: {  	[smem:$0x3FB8] =	sst s9;
	s0 =	simm.s32 @!p0 $0x0  }
0x12: {  	s1 =	sld [smem:$0x3F9E];
	s0 =	simm.s32 @p0 $0x1  }
0x13: {  	[smem:$0x3FB9] =	sst s0;
	s0 =	simm.s32 @!p1 $0x0  }
0x14: {  	s2 =	sld [smem:$0x3F9D];
	s0 =	simm.s32 @p1 $0x1  }
0x15: {  	[smem:$0x3FBA] =	sst s0;
	s0 =	simm.s32 @!p2 $0x0  }
0x16: {  	s3 =	sld [smem:$0x3FDB];
	s0 =	simm.s32 @p2 $0x1  }
0x17: {  	s4 =	simm.s32 $0x1BF5;
	[smem:$0x3FBC] =	sst s0  }
0x18: {  	s0 =	sld [smem:$0x3F9F];
	_ =	swait.ge [sflag:s4], $0x0  }
0x19: {  	s7 =	sld [smem:$0x3FA0]  }
0x1a: {  	s8 =	sadd.s32 $0xFFFFE003, lr  }
0x1b: {  	s9 =	sadd.s32 $0xFFFFFEF7, lr;
	s5 =	simm.s32 $0xFFFFFFFF;
	p2 =	slt.u32 s8, $0xFFFFF086  }
0x1c: {  	p1 =	slt.u32 s9, $0xF7A;
	s5 =	simm.s32 @!p2 $0x0  }
0x1d: {  	s5 =	simm.s32 @p1 $0x1;
	p0 =	seq.s32 s7, s2  }
0x1e: {  	s7 =	smul.u32 @!p0 $0xF7A, s2;
	p2 =	seq.s32 @!p0 s5, $0x0  }
0x1f: {  	s9 =	smul.u32 $0xF7A, s1;
	s8 =	simm.s32 @!p0 $0x1BF5;
	p2 =	por !p2, p0  }
0x20: {  	[sflag:s8] =	ssyncset.s32 @!p0 $0xFFFFF086;
	s6 =	sadd.s32 @!p0 s3, s7;
	s7 =	simm.s32 @!p0 $0x108  }
0x21: {  	s3 =	sadd.s32 s3, s9;
	s6 =	sadd.s32 @!p0 $0x88, s6;
	s7 =	simm.s32 @p2 $0x1082  }
0x22: {  	[simem:s7], [sflag:s8] =	dma.local @!p0 [hbm:s6], $0xF7A  }
0x23: {  	s9 =	sor.u32 $0xD0000000, s2;
	s6 =	simm.s32 $0x108;
	_ =	swait.ge @!p0 [sflag:s8], $0x0  }
0x24: {  	s3 =	sadd.s32 $0x88, s3;
	s6 =	simm.s32 @!p1 $0x1082;
	[sflag:s4] =	ssyncset.s32 $0xFFFFF086  }
0x25: {  	[simem:s6], [sflag:s4] =	dma.local [hbm:s3], $0xF7A  }
0x26: {  	[smem:$0x3FA0] =	sst s1;
	(tag) =	ssettag s2;
	_ =	strace s9  }
0x27: {  	s1 =	sld [smem:$0x3FB0]  }
0x28: {  	s2 =	sld [smem:$0x3FB1]  }
0x29: {  	s4 =	sld [smem:$0x3FB3]  }
0x2a: {  	p0 =	seq.s32 s5, $0x0;
	s5 =	sld [smem:$0x3FB4]  }
0x2b: {  	s6 =	sld [smem:$0x3FB5]  }
0x2c: {  	s7 =	sld [smem:$0x3FB6]  }
0x2d: {  	s3 =	simm.s32 $0x108;
	s8 =	sld [smem:$0x3FB7]  }
0x2e: {  	s3 =	simm.s32 @!p0 $0x1082;
	s9 =	sld [smem:$0x3FB8]  }
0x2f: {  	lr =	sadd.s32 s0, s3;
	s0 =	sld [smem:$0x3FAF]  }
0x30: {  	s3 =	sld [smem:$0x3FB2]  }
0x31: {  	[smem:$0x3FBB] =	sst s10  }
0x32: {  	s10 =	sld [smem:$0x3FB9];
	_ =	sdelay $0x3  }
0x33: {  	p0 =	seq.s32 s10, $0x1;
	s10 =	sld [smem:$0x3FBB];
	_ =	sdelay $0x3  }
0x34: {  	[smem:$0x3FBB] =	sst s10  }
0x35: {  	s10 =	sld [smem:$0x3FBA];
	_ =	sdelay $0x3  }
0x36: {  	p1 =	seq.s32 s10, $0x1;
	s10 =	sld [smem:$0x3FBB];
	_ =	sdelay $0x3  }
0x37: {  	[smem:$0x3FBB] =	sst s10  }
0x38: {  	s10 =	sld [smem:$0x3FBC]  }
0x39: {  	_ = 	snop;
	(pc) =	sbr.ind lr, $3  }
0x3a: {  	_ = 	snop  }
0x3b: {  	_ = 	snop  }
0x3c: {  	p2 =	seq.s32 s10, $0x1;
	s10 =	sld [smem:$0x3FBB]  }
0x3d: {  	_ =	shalt  }
0x3e: {  	_ =	shalt  }
0x3f: {  	_ =	shalt  }
0x40: {  	_ =	shalt  }
0x41: {  	_ =	shalt  }
0x42: {  	_ =	shalt  }
0x43: {  	_ =	shalt  }
0x44: {  	_ =	shalt  }
0x45: {  	_ =	shalt  }
0x46: {  	_ =	shalt  }
0x47: {  	_ =	shalt  }
0x48: {  	_ =	shalt  }
0x49: {  	_ =	shalt  }
0x4a: {  	_ =	shalt  }
0x4b: {  	_ =	shalt  }
0x4c: {  	_ =	shalt  }
0x4d: {  	_ =	shalt  }
0x4e: {  	_ =	shalt  }
0x4f: {  	_ =	shalt  }
0x50: {  	_ =	shalt  }
0x51: {  	_ =	shalt  }
0x52: {  	_ =	shalt  }
0x53: {  	_ =	shalt  }
0x54: {  	_ =	shalt  }
0x55: {  	_ =	shalt  }
0x56: {  	_ =	shalt  }
0x57: {  	_ =	shalt  }
0x58: {  	_ =	shalt  }
0x59: {  	_ =	shalt  }
0x5a: {  	_ =	shalt  }
0x5b: {  	_ =	shalt  }
0x5c: {  	_ =	shalt  }
0x5d: {  	_ =	shalt  }
0x5e: {  	_ =	shalt  }
0x5f: {  	_ =	shalt  }
0x60: {  	_ =	shalt  }
0x61: {  	_ =	shalt  }
0x62: {  	_ =	shalt  }
0x63: {  	_ =	shalt  }
0x64: {  	_ =	shalt  }
0x65: {  	_ =	shalt  }
0x66: {  	_ =	shalt  }
0x67: {  	_ =	shalt  }
0x68: {  	_ =	shalt  }
0x69: {  	_ =	shalt  }
0x6a: {  	_ =	shalt  }
0x6b: {  	_ =	shalt  }
0x6c: {  	_ =	shalt  }
0x6d: {  	_ =	shalt  }
0x6e: {  	_ =	shalt  }
0x6f: {  	_ =	shalt  }
0x70: {  	_ =	shalt  }
0x71: {  	_ =	shalt  }
0x72: {  	_ =	shalt  }
0x73: {  	_ =	shalt  }
0x74: {  	_ =	shalt  }
0x75: {  	_ =	shalt  }
0x76: {  	_ =	shalt  }
0x77: {  	_ =	shalt  }
0x78: {  	_ =	shalt  }
0x79: {  	_ =	shalt  }
0x7a: {  	_ =	shalt  }
0x7b: {  	_ =	shalt  }
0x7c: {  	_ =	shalt  }
0x7d: {  	_ =	shalt  }
0x7e: {  	_ =	shalt  }
0x7f: {  	_ =	shalt  }
0x80: {  	_ =	shalt  }
0x81: {  	_ =	shalt  }
0x82: {  	_ =	shalt  }
0x83: {  	_ =	shalt  }
0x84: {  	_ =	shalt  }
0x85: {  	_ =	shalt  }
0x86: {  	_ =	shalt  }
0x87: {  	_ =	shalt  }
.Lfunc_end0:
.L_simem_size_0:
called_computation_lowered:
.L_overlay_start_0:
0x88: {  	s0 =	sld [smem:$0x3FD9]  }
0x89: {  	s1 =	sld [smem:$0x3FFE];
	_ =	sdelay $0x3  }
0x8a: {  	s0 =	sadd.s32 s1, s0  }
0x8b: {  	[smem:$0x3FC7] =	sst s0  }
0x8c: {  	_ = 	snop  }
0x8d: {  	s0 =	sld [smem:$0x3FD0];
	(tm) =	ssettm $0x1  }
0x8e: {  	s16 =	sld [smem:$0x3FFB];
	_ =	sdelay $0x3  }
0x8f: {  	_ =	strace s16  }
0x90: {  	s1 =	sld [smem:$0x3FFC];
	_ =	sdelay $0x3  }
0x91: {  	_ =	strace s1  }
0x92: {  	s1 =	sld [smem:$0x3FFD];
	_ =	sdelay $0x3  }
0x93: {  	_ =	strace s1  }
0x94: {  	_ =	strace $0x8FFFFFFF  }
0x95: {  	s17 =	sld [smem:$0x3FDB];
	_ =	sdelay $0x1  }
0x96: {  	s2 =	simm.s32 $_scs_section_size  }
0x97: {  	s3 =	simm.s32 $_size__tile_overlayer_lowered;
	s4 =	simm.s32 $_tile_overlayer_lowered  }
0x98: {  	s20 =	simm.s32 $0x1BFF;
	s19 =	sshll.u32 s4, $0x1;
	s1 =	sadd.s32 s2, s17  }
0x99: {  	s5 =	simm.s32 $0x0;
	s18 =	sshll.u32 s3, $0x1;
	s3 =	sadd.s32 s19, s1  }
0x9a: {  	[timem:s5], [sflag:s20] =	dma.local [hbm:s3], s18  }
0x9b: {  	_ =	swait.ge [sflag:s20], s18  }
0x9c: {  	s2 =	ssub.s32 $0x0, s18;
	[sflag:s20] =	ssyncset.done $0x0  }
0x9d: {  	[sflag:s20] =	ssyncadd.s32 s2;
	_ =	sdelay $0x1  }
0x9e: {  	s21 =	simm.s32 $0x1B8B  }
0x9f: {  	_ =	swait.ge [sflag:s21], $0x1  }
0xa0: {  	[sflag:s21] =	ssyncset.done $0x0  }
0xa1: {  	s23 =	simm.s32 $0x1B8E;
	s22 =	sld [smem:$0x3FFE];
	[sflag:s21] =	ssyncadd.s32 $0xFFFFFFFF  }
0xa2: {  	s24 =	simm.s32 $execute0_lowered;
	[smem:$0x3FD2] =	sst s23  }
0xa3: {  	s3 =	sshll.u32 s24, $0x1;
	_ =	strace $0x80000046;
	[dreg:$0x1] =	wrdreg $0xFFFFFFFF  }
0xa4: {  	s25 =	simm.s32 $_size_execute0_lowered;
	s1 =	sadd.s32 s1, s3;
	[dreg:$0x0] =	wrdreg $0x0  }
0xa5: {  	s3 =	sshll.u32 s25, $0x1;
	[dreg:$0x2] =	wrdreg s1  }
0xa6: {  	[dreg:$0x3] =	wrdreg s3  }
0xa7: {  	[dreg:$0x4] =	wrdreg $0xC0  }
0xa8: {  	_ =	task [dreg:s5], $0x5FFFF  }
0xa9: {  	[dreg:$0x1] =	wrdreg $0xFFFFFFFF  }
0xaa: {  	[dreg:$0x0] =	wrdreg $0x60  }
0xab: {  	[dreg:$0x2] =	wrdreg s22  }
0xac: {  	[dreg:$0x3] =	wrdreg s0  }
0xad: {  	[dreg:$0x4] =	wrdreg $0x4B800  }
0xae: {  	[dreg:$0x5] =	wrdreg $0x9  }
0xaf: {  	_ =	task.clear_ibuf [dreg:s5], $0x6FFFF;
	_ =	strace $0x90000046  }
0xb0: {  	s26 =	simm.s32 $0x9;
	_ =	strace $0x80000048  }
0xb1: {  	_ =	swait.ge [sflag:s26], $0x1  }
0xb2: {  	[sflag:s26] =	ssyncadd.s32 $0xFFFFFFFF  }
0xb3: {  	_ =	strace $0x90000048  }
0xb4: {  	_ =	sfence  }
0xb5: {  	s28 =	sld [smem:$0x0];
	_ =	sdelay $0x1  }
0xb6: {  	s29 =	srdreg.scid  }
0xb7: {  	s30 =	sshll.u32 s29, $0xD;
	s31 =	sshrl.u32 s29, $0x2  }
0xb8: {  	s2 =	sand.u32 $0x4000, s30;
	s1 =	sand.u32 $0x1, s29;
	s0 =	sadd.s32 s31, s28  }
0xb9: {  	s1 =	sor.u32 s2, s1;
	s0 =	sshll.u32 s0, $0x11  }
0xba: {  	s0 =	sor.u32 s0, s1  }
0xbb: {  	s0 =	sadd.s32 $0x8F2B, s0  }
0xbc: {  	[sflag:s0] =	ssyncadd.remote.s32 $0x1  }
0xbd: {  	_ =	sfence.sel $0xFFFF  }
0xbe: {  	[dreg:$0x0] =	wrdreg $0xFFFFFFFF;
	(pc) =	sbr.abs _section_cstart, $3  }
0xbf: {  	[dreg:$0x1] =	wrdreg $0xFFFFFFFF  }
0xc0: {  	_ =	task.clear_ibuf [dreg:s5], $0x2FFFF;
	_ =	strace $0x9FFFFFFF  }
0xc1: {  	(tm) =	ssettm $0x7FFFFFFF  }
tec
execute0_lowered:
.L_overlay_start_1:
0x0: {  	(tag) =	ssettag $0x1  }
0x1: {  	s4 =	rddreg [dreg:$0x0];
	s6 =	stileid.u32  }
0x2: {  	s1 =	rddreg [dreg:$0x1];
	s2 =	smul.u32 $0xC40, s6  }
0x3: {  	s3 =	rddreg [dreg:$0x2]  }
0x4: {  	s0 =	rddreg [dreg:$0x3];
	s5 =	simm.s32 $0x0;
	s7 =	sshrl.u32 s2, $0x3  }
0x5: {  	[smem:$0x7FF] =	sst s5;
	s4 =	sadd.s32 s7, s4  }
0x6: {  	s30 =	simm.s32 $0x1;
	_ =	strace $0x80000047;
	s7 =	sadd.s32 $0x1C00, s4  }
0x7: {  	[tilespmem:s5], [sflag:$0x1] =	stream.linear.gather [hbm4b:s7+s5], $0xC40, $0x38;
	[tilespmem:$0x4BA0] =	vst v63  }
0x8: {  	_ =	swait.ge [sflag:s30], $0xC40  }
0x9: {  	[sflag:s30] =	ssyncset.done $0x0  }
0xa: {  	s9 =	simm.s32 $0xC80;
	s8 =	sadd.s32 $0x3600, s4;
	[sflag:s30] =	ssyncadd.s32 $0xFFFFF3C0  }
0xb: {  	[tilespmem:s9], [sflag:$0x1] =	stream.linear.gather [hbm4b:s8+s5], $0xC40, $0x38;
	[tilespmem:$0x4BA0] =	vst v63  }
0xc: {  	_ =	swait.ge [sflag:s30], $0xC40  }
0xd: {  	[sflag:s30] =	ssyncset.done $0x0  }
0xe: {  	s31 =	simm.s32 $0x1900;
	s4 =	sadd.s32 $0x200, s4;
	[sflag:s30] =	ssyncadd.s32 $0xFFFFF3C0  }
0xf: {  	[tilespmem:s31], [sflag:$0x1] =	stream.linear.gather [hbm4b:s4+s5], $0xC40, $0x38;
	[tilespmem:$0x4BA0] =	vst v63  }
0x10: {  	_ =	swait.ge [sflag:s30], $0xC40  }
0x11: {  	v0 =	vimm.f32 $+Inf;
	p0 =	slt.u32 s2, $0xC350;
	s7 =	simm.s32 $0x0;
	[sflag:s30] =	ssyncset.done $0x0  }
0x12: {  	v1 =	vpsel !p0, $0xFF800000, v0;
	s4 =	simm.s32 $0x40;
	s5 =	smov.u32 s2;
	[sflag:s30] =	ssyncadd.s32 $0xFFFFF3C0  }
.LBB2_1:
0x13: {  	p0 =	sne.s32 s4, $0x30C0  }
0x14: {  	[tilespmem:s7+$0x2580] =	vst v1;
	s5 =	sadd.s32 $0x10, s5;
	s7 =	smov.u32 s4;
	s4 =	sadd.s32 $0x40, s4  }
.Ltmp0:
0x15: {  	(pc) =	sbr.rel @p0 .LBB2_1-.Ltmp0, $3  }
0x16: {  	_ =	sdelay $0x1  }
0x17: {  	p1 =	slt.u32 s5, $0xC350  }
0x18: {  	s7 =	sshra.s32 s7, $0x2;
	v1 =	vpsel !p1, $0xFF800000, v0  }
0x19: {  	[tilespmem:s7+$0x2580] =	vst v1;
	p0 =	sne.s32 s6, $0x0  }
0x1a: {  	v0 =	vld @!p0 [tilespmem:$0x0];
	v1 =	vimm.s32 @!p0 $0x2  }
0x1b: {  	v2 =	vld @!p0 [tilespmem:$0xC80];
	v3 =	vimm.s32 @!p0 $0x3  }
0x1c: {  	v4 =	vld @!p0 [tilespmem:$0x1900];
	v5 =	vimm.s32 @!p0 $0x4;
	_ =	sdelay $0x1  }
0x1d: {  	s4 =	simm.s32 @!p0 $0x3200  }
0x1e: {  	[tilespmem:v1+s4+$0x0] =	vst.idx.msk @!p0 $0x1, v0  }
0x1f: {  	[tilespmem:v3+s4+$0x0] =	vst.idx.msk @!p0 $0x1, v2  }
0x20: {  	[tilespmem:v5+s4+$0x0] =	vst.idx.msk @!p0 $0x1, v4  }
0x21: {  	[spmem:s3] =	stream.linear.scatter @!p0 [tilespmem:s4], [sflag:$0x1], $0x10, $0x38;
	[tilespmem:$0x4BA0] =	vst v63  }
0x22: {  	s4 =	simm.s32 @!p0 $0x1  }
0x23: {  	_ =	swait.ge @!p0 [sflag:s4], $0x10  }
0x24: {  	[sflag:s4] =	ssyncset.done @!p0 $0x0  }
0x25: {  	[sflag:s4] =	ssyncadd.s32 @!p0 $0xFFFFFFF0  }
0x26: {  	s5 =	simm.s32 $0x1;
	v0 =	vimm.s32 $0x3;
	s4 =	simm.s32 $0x3280;
	[bflag:$0x0] =	sbarrier.arrive $0xFFFF  }
0x27: {  	v2 =	vimm.s32 $0x4;
	[tilespmem:s4], [sflag:$0x1] =	stream.linear.gather [spmem:s3], $0x100, $0x38;
	[tilespmem:$0x4BA0] =	vst v63  }
0x28: {  	v4 =	vimm.s32 $0x2;
	_ =	swait.ge [sflag:s5], $0x100  }
0x29: {  	[sflag:s5] =	ssyncset.done $0x0  }
0x2a: {  	[sflag:s5] =	ssyncadd.s32 $0xFFFFFF00  }
0x2b: {  	v1 =	vld.idx.msk [tilespmem:v0+s4+$0x0], $0xffff  }
0x2c: {  	v3 =	vld.idx.msk [tilespmem:v2+s4+$0x0], $0xffff  }
0x2d: {  	v2 =	vld.idx.msk [tilespmem:v4+s4+$0x0], $0xffff  }
0x2e: {  	v4 =	vlaneseq.u32 @!p0  }
.Ltmp1:
0x2f: {  	_ = 	snop;
	(pc) =	sbr.rel .LBB2_3-.Ltmp1, $4  }
0x30: {  	vm0 =	vcmask @!p0 $0x3F08  }
0x31: {  	s9 =	sshll.u32 s6, $0x6;
	s6 =	simm.s32 $0x0;
	s7 =	simm.s32 $0xC80;
	v0 =	vsel @!p0 vm0, v3, v1;
	vm0 =	vmmov @!p0 $0x1  }
0x32: {  	v40 =	vlaneseq.u32;
	s8 =	simm.s32 $0x1900;
	s11 =	simm.s32 $0x3380;
	s10 =	simm.s32 @!p0 $0x3380;
	v5 =	vsel @!p0 vm0, v2, v0  }
0x33: {  	vm1 =	vcmask $0x3F0C;
	vm2 =	vcmask $0x3F08;
	s12 =	simm.s32 $0x1;
	s9 =	sshrl.u32 s9, $0x2;
	vm0 =	vcmask $0x3F10;
	[tilespmem:v4+s10+$0x0] =	vst.idx.msk @!p0 $0x7, v5;
	s10 =	simm.s32 $0x3200  }
.LBB2_6:
0x34: {  	s13 =	smul.u32 $0x3, s12  }
0x35: {  	s12 =	sadd.s32 $0x1, s12  }
0x36: {  	p1 =	seq.s32 s12, $0x800;
	v0 =	vadd.s32 s13, v40  }
.Ltmp2:
0x37: {  	_ = 	snop;
	(pc) =	sbr.rel @p1 .LBB2_7-.Ltmp2, $4  }
0x38: {  	_ = 	snop  }
0x39: {  	v4 =	vsel vm2, v3, v1  }
0x3a: {  	v4 =	vsel vm3, v2, v4  }
0x3b: {  	[tilespmem:v0+s11+$0x0] =	vst.idx.msk $0x7, v4  }
.LBB2_3:
0x3c: {  	v5 =	vimm.f32 $-Inf;
	v4 =	vimm.s32 $0x0;
	s13 =	simm.s32 $0x0  }
.LBB2_4:
0x3d: {  	s14 =	sshll.u32 s13, $0x4  }
0x3e: {  	v6 =	vld [tilespmem:s14+$0x0]  }
0x3f: {  	v7 =	vld [tilespmem:s14+$0xC80]  }
0x40: {  	v8 =	vld [tilespmem:s14+$0x1900]  }
0x41: {  	v10 =	vld [tilespmem:s14+$0xC90]  }
0x42: {  	v11 =	vld [tilespmem:s14+$0x1910]  }
0x43: {  	v54 =	vld [tilespmem:s14+$0x2580]  }
0x44: {  	s15 =	sor.u32 $0x10, s14;
	v12 =	vld [tilespmem:s14+$0xCA0]  }
0x45: {  	v13 =	vor.u32 s14, v40;
	v9 =	vld [tilespmem:s15+$0x0];
	v6 =	vsub.f32 v6, v2;
	v7 =	vsub.f32 v7, v1  }
0x46: {  	v14 =	vld [tilespmem:s14+$0x2590];
	vm4 =	vlt.s32 v13, v4;
	v62 =	vor.u32 s15, v40  }
0x47: {  	s16 =	sadd.s32 $0x20, s14;
	v16 =	vld [tilespmem:s14+$0xCC0];
	s17 =	sadd.s32 $0x30, s14;
	s18 =	sadd.s32 $0x40, s14;
	v8 =	vsub.f32 v8, v3;
	v6 =	vmul.f32 v6, v6;
	v7 =	vmul.f32 v7, v7  }
0x48: {  	v28 =	vld [tilespmem:s14+$0xCE0];
	s19 =	sadd.s32 $0x50, s14;
	v17 =	vor.u32 s16, v40;
	v26 =	vor.u32 s17, v40;
	v29 =	vor.u32 s18, v40  }
0x49: {  	v56 =	vld [tilespmem:s14+$0x1920];
	s20 =	sadd.s32 $0x70, s14;
	v38 =	vor.u32 s19, v40;
	v6 =	vadd.f32 v7, v6;
	v7 =	vmul.f32 v8, v8  }
0x4a: {  	v59 =	vld [tilespmem:s14+$0xCB0];
	s18 =	sadd.s32 $0x60, s14;
	v51 =	vor.u32 s20, v40;
	v10 =	vsub.f32 v10, v1;
	v9 =	vsub.f32 v9, v2  }
0x4b: {  	s17 =	sadd.s32 $0x80, s14;
	v42 =	vor.u32 s18, v40;
	v11 =	vsub.f32 v11, v3;
	v6 =	vadd.f32 v7, v6;
	v7 =	vld [tilespmem:s14+$0x20]  }
0x4c: {  	v53 =	vld [tilespmem:s14+$0xD20];
	s15 =	sand.u32 $0x60, s14;
	s16 =	sand.u32 $0x1F80, s17;
	v58 =	vsub.f32 v12, v1;
	v10 =	vmul.f32 v10, v10;
	v9 =	vmul.f32 v9, v9  }
0x4d: {  	v57 =	vld [tilespmem:s14+$0x30];
	s16 =	sor.u32 s15, s16;
	v22 =	vsub.f32 v16, v1;
	v34 =	vsub.f32 v28, v1;
	v55 =	vmul.f32 v11, v11  }
0x4e: {  	v41 =	vld [tilespmem:s16+$0xC80];
	v60 =	vmul.f32 v58, v58;
	v0 =	vmin.f32 v54, v6;
	v6 =	vadd.f32 v10, v9  }
0x4f: {  	v11 =	vsub.f32 v59, v1;
	v24 =	vmul.f32 v22, v22;
	v36 =	vmul.f32 v34, v34  }
0x50: {  	v61 =	vld [tilespmem:s14+$0x1930];
	vm5 =	vgt.f32 v0, v5;
	v6 =	vadd.f32 v55, v6;
	v7 =	vsub.f32 v7, v2  }
0x51: {  	v59 =	vsub.f32 v53, v1;
	vm3 =	veq.f32 v0, v5;
	v5 =	vsel vm5, v0, v5  }
0x52: {  	[tilespmem:$0x1FDB0] =	vst v0;
	v0 =	vmin.f32 v14, v6;
	v6 =	vsub.f32 v56, v3;
	v7 =	vmul.f32 v7, v7  }
0x53: {  	v25 =	vld [tilespmem:s14+$0x1950];
	v8 =	vsub.f32 v57, v2;
	v11 =	vmul.f32 v11, v11;
	v47 =	vsub.f32 v41, v1  }
0x54: {  	v63 =	vld [tilespmem:s14+$0x25A0];
	vm3 =	vmand vm4, vm3;
	v6 =	vmul.f32 v6, v6;
	v7 =	vadd.f32 v60, v7  }
0x55: {  	v18 =	vld [tilespmem:s14+$0x25B0];
	v8 =	vmul.f32 v8, v8;
	v10 =	vsub.f32 v61, v3;
	vm3 =	vmor vm5, vm3  }
0x56: {  	v49 =	vmul.f32 v47, v47;
	v4 =	vsel vm3, v13, v4;
	v6 =	vadd.f32 v6, v7;
	v7 =	vld [tilespmem:s14+$0x40]  }
0x57: {  	v20 =	vld [tilespmem:s14+$0x1940];
	v19 =	vmul.f32 v10, v10;
	vm15 =	veq.f32 v0, v5;
	vm8 =	vlt.s32 v62, v4  }
0x58: {  	v21 =	vld [tilespmem:s14+$0x50];
	v10 =	vsub.f32 v25, v3;
	vm3 =	vgt.f32 v0, v5;
	vm4 =	vmand vm8, vm15  }
0x59: {  	v37 =	vld [tilespmem:s14+$0x1970];
	[tilespmem:$0x1FDC0] =	vst v0;
	v5 =	vsel vm3, v0, v5;
	v0 =	vmin.f32 v63, v6;
	v6 =	vadd.f32 v11, v8  }
0x5a: {  	v54 =	vor.u32 s17, v40;
	v31 =	vmul.f32 v10, v10;
	vm4 =	vmor vm3, vm4  }
0x5b: {  	v23 =	vld [tilespmem:s14+$0xCD0];
	vm9 =	vgt.f32 v0, v5;
	v6 =	vadd.f32 v19, v6;
	v7 =	vsub.f32 v7, v2  }
0x5c: {  	v4 =	vsel vm4, v62, v4;
	vm3 =	veq.f32 v0, v5;
	v5 =	vsel vm9, v0, v5  }
0x5d: {  	[tilespmem:$0x1FDD0] =	vst v0;
	v0 =	vmin.f32 v18, v6;
	v6 =	vsub.f32 v20, v3;
	v7 =	vmul.f32 v7, v7  }
0x5e: {  	v50 =	vld [tilespmem:s14+$0x1990];
	v10 =	vsub.f32 v37, v3;
	vm4 =	vlt.s32 v17, v4;
	v8 =	vsub.f32 v21, v2  }
0x5f: {  	v27 =	vld [tilespmem:s14+$0x25C0];
	vm3 =	vmand vm4, vm3;
	v6 =	vmul.f32 v6, v6;
	v7 =	vadd.f32 v24, v7  }
0x60: {  	v44 =	vmul.f32 v10, v10;
	v11 =	vsub.f32 v23, v1;
	vm3 =	vmor vm9, vm3  }
0x61: {  	v8 =	vmul.f32 v8, v8;
	v4 =	vsel vm3, v17, v4;
	v6 =	vadd.f32 v6, v7;
	v7 =	vld [tilespmem:s14+$0x60]  }
0x62: {  	v30 =	vld [tilespmem:s14+$0x25D0];
	v11 =	vmul.f32 v11, v11;
	vm10 =	veq.f32 v0, v5;
	vm11 =	vlt.s32 v26, v4  }
0x63: {  	v32 =	vld [tilespmem:s14+$0x1960];
	v10 =	vsub.f32 v50, v3;
	vm3 =	vgt.f32 v0, v5;
	vm4 =	vmand vm11, vm10  }
0x64: {  	v33 =	vld [tilespmem:s14+$0x70];
	[tilespmem:$0x1FDE0] =	vst v0;
	v5 =	vsel vm3, v0, v5;
	v0 =	vmin.f32 v27, v6;
	v6 =	vadd.f32 v11, v8  }
0x65: {  	v35 =	vld [tilespmem:s14+$0xCF0];
	v61 =	vmul.f32 v59, v59;
	v56 =	vmul.f32 v10, v10;
	vm4 =	vmor vm3, vm4  }
0x66: {  	v62 =	vld [tilespmem:s14+$0x19B0];
	vm12 =	vgt.f32 v0, v5;
	v6 =	vadd.f32 v31, v6;
	v7 =	vsub.f32 v7, v2  }
0x67: {  	v4 =	vsel vm4, v26, v4;
	vm3 =	veq.f32 v0, v5;
	v5 =	vsel vm12, v0, v5  }
0x68: {  	s21 =	sadd.s32 $0x90, s14;
	[tilespmem:$0x1FDF0] =	vst v0;
	v0 =	vmin.f32 v30, v6;
	v6 =	vsub.f32 v32, v3;
	v7 =	vmul.f32 v7, v7  }
0x69: {  	v39 =	vld [tilespmem:s14+$0x25E0];
	v63 =	vor.u32 s21, v40;
	vm4 =	vlt.s32 v29, v4;
	v8 =	vsub.f32 v33, v2  }
0x6a: {  	v43 =	vld [tilespmem:s14+$0x25F0];
	vm3 =	vmand vm4, vm3;
	v6 =	vmul.f32 v6, v6;
	v7 =	vadd.f32 v36, v7  }
0x6b: {  	v10 =	vsub.f32 v62, v3;
	v17 =	vld [tilespmem:s14+$0xD40];
	v11 =	vsub.f32 v35, v1;
	vm3 =	vmor vm12, vm3  }
0x6c: {  	v8 =	vmul.f32 v8, v8;
	v4 =	vsel vm3, v29, v4;
	v6 =	vadd.f32 v6, v7;
	v7 =	vld [tilespmem:s16+$0x0]  }
0x6d: {  	v46 =	vld [tilespmem:s14+$0x90];
	s22 =	sadd.s32 $0xA0, s14;
	v11 =	vmul.f32 v11, v11;
	vm13 =	veq.f32 v0, v5;
	vm14 =	vlt.s32 v38, v4  }
0x6e: {  	v45 =	vld [tilespmem:s16+$0x1900];
	v18 =	vor.u32 s22, v40;
	vm3 =	vgt.f32 v0, v5;
	vm4 =	vmand vm14, vm13  }
0x6f: {  	v48 =	vld [tilespmem:s14+$0xD10];
	[tilespmem:$0x1FE00] =	vst v0;
	v5 =	vsel vm3, v0, v5;
	v0 =	vmin.f32 v39, v6;
	v6 =	vadd.f32 v11, v8  }
0x70: {  	v20 =	vmul.f32 v10, v10;
	v23 =	vsub.f32 v17, v1;
	vm4 =	vmor vm3, vm4  }
0x71: {  	vm15 =	vgt.f32 v0, v5;
	v6 =	vadd.f32 v44, v6;
	v7 =	vsub.f32 v7, v2  }
0x72: {  	v4 =	vsel vm4, v38, v4;
	vm3 =	veq.f32 v0, v5;
	v5 =	vsel vm15, v0, v5  }
0x73: {  	[tilespmem:$0x1FE10] =	vst v0;
	v0 =	vmin.f32 v43, v6;
	v6 =	vsub.f32 v45, v3;
	v7 =	vmul.f32 v7, v7  }
0x74: {  	vm4 =	vlt.s32 v42, v4;
	v8 =	vsub.f32 v46, v2;
	v11 =	vsub.f32 v48, v1  }
0x75: {  	v52 =	vld [tilespmem:s16+$0x2580];
	vm3 =	vmand vm4, vm3;
	v6 =	vmul.f32 v6, v6;
	v7 =	vadd.f32 v49, v7  }
0x76: {  	v25 =	vmul.f32 v23, v23;
	v8 =	vmul.f32 v8, v8;
	vm3 =	vmor vm15, vm3  }
0x77: {  	v11 =	vmul.f32 v11, v11;
	v4 =	vsel vm3, v42, v4;
	v6 =	vadd.f32 v6, v7;
	v7 =	vld [tilespmem:s14+$0xA0]  }
0x78: {  	s23 =	sadd.s32 $0xB0, s14;
	v57 =	vld [tilespmem:s14+$0x19A0];
	vm3 =	vgt.f32 v0, v5;
	vm8 =	veq.f32 v0, v5;
	vm9 =	vlt.s32 v51, v4  }
0x79: {  	v55 =	vld [tilespmem:s14+$0x2610];
	v27 =	vor.u32 s23, v40;
	vm4 =	vmand vm9, vm8;
	v5 =	vsel vm3, v0, v5  }
0x7a: {  	s24 =	sadd.s32 $0xC0, s14;
	s25 =	sadd.s32 $0xD0, s14;
	v58 =	vld [tilespmem:s14+$0xB0];
	[tilespmem:$0x1FE20] =	vst v0;
	vm4 =	vmor vm3, vm4;
	v0 =	vmin.f32 v52, v6;
	v6 =	vadd.f32 v11, v8  }
0x7b: {  	v30 =	vor.u32 s24, v40;
	v39 =	vor.u32 s25, v40;
	v4 =	vsel vm4, v51, v4  }
0x7c: {  	v60 =	vld [tilespmem:s14+$0xD30];
	vm10 =	vgt.f32 v0, v5;
	v6 =	vadd.f32 v56, v6;
	v7 =	vsub.f32 v7, v2  }
0x7d: {  	vm4 =	vlt.s32 v54, v4;
	vm3 =	veq.f32 v0, v5;
	v5 =	vsel vm10, v0, v5  }
0x7e: {  	s19 =	sadd.s32 $0xE0, s14;
	[tilespmem:$0x1FE30] =	vst v0;
	v0 =	vmin.f32 v55, v6;
	v6 =	vsub.f32 v57, v3;
	v7 =	vmul.f32 v7, v7  }
0x7f: {  	v16 =	vld [tilespmem:s14+$0x2620];
	v43 =	vor.u32 s19, v40;
	v8 =	vsub.f32 v58, v2;
	vm3 =	vmand vm4, vm3  }
0x80: {  	vm3 =	vmor vm10, vm3;
	v6 =	vmul.f32 v6, v6;
	v7 =	vadd.f32 v61, v7  }
0x81: {  	v22 =	vld [tilespmem:s14+$0xD0];
	v11 =	vsub.f32 v60, v1;
	v8 =	vmul.f32 v8, v8;
	v4 =	vsel vm3, v54, v4  }
0x82: {  	v24 =	vld [tilespmem:s14+$0xD50];
	vm11 =	veq.f32 v0, v5;
	vm12 =	vlt.s32 v63, v4;
	v6 =	vadd.f32 v6, v7  }
0x83: {  	v21 =	vld [tilespmem:s14+$0x19C0];
	v11 =	vmul.f32 v11, v11;
	vm3 =	vgt.f32 v0, v5;
	vm4 =	vmand vm12, vm11  }
0x84: {  	s26 =	sadd.s32 $0x100, s14;
	s29 =	sadd.s32 $0xF0, s14;
	v19 =	vld [tilespmem:s14+$0x2630];
	[tilespmem:$0x1FE40] =	vst v0;
	v5 =	vsel vm3, v0, v5;
	vm4 =	vmor vm3, vm4;
	v0 =	vmin.f32 v16, v6  }
0x85: {  	v52 =	vor.u32 s29, v40;
	v55 =	vor.u32 s26, v40;
	v4 =	vsel vm4, v63, v4;
	v7 =	vld [tilespmem:s14+$0xC0];
	[tilespmem:$0x1FE50] =	vst v0  }
0x86: {  	s30 =	sadd.s32 $0x110, s14;
	vm4 =	vlt.s32 v18, v4;
	v6 =	vadd.f32 v11, v8;
	v8 =	vsub.f32 v22, v2;
	v26 =	vld [tilespmem:s14+$0x19D0]  }
0x87: {  	v11 =	vsub.f32 v24, v1;
	v16 =	vor.u32 s30, v40;
	vm3 =	veq.f32 v0, v5;
	v28 =	vld [tilespmem:s14+$0x2640]  }
0x88: {  	s28 =	sand.u32 $0x1F80, s26;
	vm13 =	vgt.f32 v0, v5;
	vm3 =	vmand vm4, vm3;
	v6 =	vadd.f32 v20, v6;
	v29 =	vld [tilespmem:s14+$0xD60]  }
0x89: {  	s17 =	sor.u32 s15, s28;
	v5 =	vsel vm13, v0, v5;
	v8 =	vmul.f32 v8, v8;
	v31 =	vld [tilespmem:s14+$0x2650];
	vm3 =	vmor vm13, vm3  }
0x8a: {  	s31 =	sadd.s32 $0x120, s14;
	v11 =	vmul.f32 v11, v11;
	v42 =	vld [tilespmem:s17+$0xC80];
	v7 =	vsub.f32 v7, v2;
	v4 =	vsel vm3, v18, v4  }
0x8b: {  	v54 =	vld [tilespmem:s14+$0xDA0];
	v0 =	vmin.f32 v19, v6;
	v6 =	vsub.f32 v21, v3;
	v19 =	vor.u32 s31, v40  }
0x8c: {  	v34 =	vld [tilespmem:s14+$0xF0];
	v7 =	vmul.f32 v7, v7;
	vm14 =	veq.f32 v0, v5;
	vm15 =	vlt.s32 v27, v4  }
0x8d: {  	v38 =	vld [tilespmem:s14+$0x19F0];
	vm3 =	vgt.f32 v0, v5;
	v6 =	vmul.f32 v6, v6;
	vm4 =	vmand vm15, vm14  }
0x8e: {  	v18 =	vld [tilespmem:s14+$0xDC0];
	v5 =	vsel vm3, v0, v5;
	v7 =	vadd.f32 v25, v7;
	v10 =	vsub.f32 v26, v3  }
0x8f: {  	v36 =	vld [tilespmem:s14+$0xD70];
	vm4 =	vmor vm3, vm4;
	v35 =	vsub.f32 v29, v1;
	v48 =	vsub.f32 v42, v1  }
0x90: {  	v60 =	vsub.f32 v54, v1;
	v4 =	vsel vm4, v27, v4;
	v6 =	vadd.f32 v6, v7;
	v7 =	vld [tilespmem:s14+$0xE0]  }
0x91: {  	v51 =	vld [tilespmem:s14+$0x1A10];
	v32 =	vmul.f32 v10, v10;
	vm4 =	vlt.s32 v30, v4;
	v37 =	vmul.f32 v35, v35  }
0x92: {  	v33 =	vld [tilespmem:s14+$0x19E0];
	v10 =	vsub.f32 v38, v3;
	v50 =	vmul.f32 v48, v48;
	v62 =	vmul.f32 v60, v60  }
0x93: {  	[tilespmem:$0x1FE60] =	vst v0;
	v24 =	vsub.f32 v18, v1;
	v0 =	vmin.f32 v28, v6;
	v6 =	vadd.f32 v11, v8  }
0x94: {  	v8 =	vsub.f32 v34, v2;
	v11 =	vsub.f32 v36, v1;
	v45 =	vmul.f32 v10, v10  }
0x95: {  	v63 =	vld [tilespmem:s14+$0x1A30];
	vm8 =	vgt.f32 v0, v5;
	v6 =	vadd.f32 v32, v6;
	v7 =	vsub.f32 v7, v2  }
0x96: {  	v10 =	vsub.f32 v51, v3;
	vm3 =	veq.f32 v0, v5;
	v5 =	vsel vm8, v0, v5  }
0x97: {  	s19 =	sadd.s32 $0x130, s14;
	[tilespmem:$0x1FE70] =	vst v0;
	v0 =	vmin.f32 v31, v6;
	v6 =	vsub.f32 v33, v3;
	v7 =	vmul.f32 v7, v7  }
0x98: {  	v27 =	vld [tilespmem:s14+$0x1A50];
	v26 =	vmul.f32 v24, v24;
	v28 =	vor.u32 s19, v40;
	vm3 =	vmand vm4, vm3  }
0x99: {  	v41 =	vld [tilespmem:s14+$0x2660];
	v8 =	vmul.f32 v8, v8;
	v6 =	vmul.f32 v6, v6;
	v7 =	vadd.f32 v37, v7  }
0x9a: {  	v44 =	vld [tilespmem:s14+$0x2670];
	v57 =	vmul.f32 v10, v10;
	v10 =	vsub.f32 v63, v3;
	vm3 =	vmor vm8, vm3  }
0x9b: {  	v11 =	vmul.f32 v11, v11;
	v4 =	vsel vm3, v30, v4;
	v6 =	vadd.f32 v6, v7;
	v7 =	vld [tilespmem:s17+$0x0]  }
0x9c: {  	v46 =	vld [tilespmem:s17+$0x1900];
	v21 =	vmul.f32 v10, v10;
	vm9 =	veq.f32 v0, v5;
	vm10 =	vlt.s32 v39, v4  }
0x9d: {  	v47 =	vld [tilespmem:s14+$0x110];
	v10 =	vsub.f32 v27, v3;
	vm3 =	vgt.f32 v0, v5;
	vm4 =	vmand vm10, vm9  }
0x9e: {  	s20 =	sadd.s32 $0x140, s14;
	v30 =	vld [tilespmem:s14+$0xDE0];
	[tilespmem:$0x1FE80] =	vst v0;
	v5 =	vsel vm3, v0, v5;
	v0 =	vmin.f32 v41, v6;
	v6 =	vadd.f32 v11, v8  }
0x9f: {  	v31 =	vor.u32 s20, v40;
	v33 =	vmul.f32 v10, v10;
	vm4 =	vmor vm3, vm4  }
0xa0: {  	v49 =	vld [tilespmem:s14+$0xD90];
	vm11 =	vgt.f32 v0, v5;
	v6 =	vadd.f32 v45, v6;
	v7 =	vsub.f32 v7, v2  }
0xa1: {  	v4 =	vsel vm4, v39, v4;
	vm3 =	veq.f32 v0, v5;
	v5 =	vsel vm11, v0, v5  }
0xa2: {  	[tilespmem:$0x1FE90] =	vst v0;
	v0 =	vmin.f32 v44, v6;
	v6 =	vsub.f32 v46, v3;
	v7 =	vmul.f32 v7, v7  }
0xa3: {  	vm4 =	vlt.s32 v43, v4;
	v36 =	vsub.f32 v30, v1;
	v8 =	vsub.f32 v47, v2  }
0xa4: {  	v53 =	vld [tilespmem:s17+$0x2580];
	vm3 =	vmand vm4, vm3;
	v6 =	vmul.f32 v6, v6;
	v7 =	vadd.f32 v50, v7  }
0xa5: {  	v39 =	vld [tilespmem:s14+$0x1A70];
	v11 =	vsub.f32 v49, v1;
	v38 =	vmul.f32 v36, v36;
	vm3 =	vmor vm11, vm3  }
0xa6: {  	v8 =	vmul.f32 v8, v8;
	v4 =	vsel vm3, v43, v4;
	v6 =	vadd.f32 v6, v7;
	v7 =	vld [tilespmem:s14+$0x120]  }
0xa7: {  	s21 =	sadd.s32 $0x150, s14;
	v56 =	vld [tilespmem:s14+$0x2690];
	v11 =	vmul.f32 v11, v11;
	vm12 =	veq.f32 v0, v5;
	vm13 =	vlt.s32 v52, v4  }
0xa8: {  	s22 =	sadd.s32 $0x180, s14;
	v58 =	vld [tilespmem:s14+$0x1A20];
	v41 =	vor.u32 s21, v40;
	vm3 =	vgt.f32 v0, v5;
	vm4 =	vmand vm13, vm12  }
0xa9: {  	s23 =	sand.u32 $0x1F80, s22;
	v59 =	vld [tilespmem:s14+$0x130];
	s20 =	sadd.s32 $0x160, s14;
	[tilespmem:$0x1FEA0] =	vst v0;
	v5 =	vsel vm3, v0, v5;
	v0 =	vmin.f32 v53, v6;
	v6 =	vadd.f32 v11, v8  }
0xaa: {  	s18 =	sor.u32 s15, s23;
	v61 =	vld [tilespmem:s14+$0xDB0];
	v10 =	vsub.f32 v39, v3;
	v44 =	vor.u32 s20, v40;
	vm4 =	vmor vm3, vm4  }
0xab: {  	v43 =	vld [tilespmem:s18+$0xC80];
	vm14 =	vgt.f32 v0, v5;
	v6 =	vadd.f32 v57, v6;
	v7 =	vsub.f32 v7, v2  }
0xac: {  	v4 =	vsel vm4, v52, v4;
	vm3 =	veq.f32 v0, v5;
	v5 =	vsel vm14, v0, v5  }
0xad: {  	[tilespmem:$0x1FEB0] =	vst v0;
	v0 =	vmin.f32 v56, v6;
	v6 =	vsub.f32 v58, v3;
	v7 =	vmul.f32 v7, v7  }
0xae: {  	v46 =	vmul.f32 v10, v10;
	vm4 =	vlt.s32 v55, v4;
	v8 =	vsub.f32 v59, v2  }
0xaf: {  	v17 =	vld [tilespmem:s14+$0x26A0];
	vm3 =	vmand vm4, vm3;
	v6 =	vmul.f32 v6, v6;
	v7 =	vadd.f32 v62, v7  }
0xb0: {  	v52 =	vld [tilespmem:s14+$0x1A90];
	v49 =	vsub.f32 v43, v1;
	v11 =	vsub.f32 v61, v1;
	vm3 =	vmor vm14, vm3  }
0xb1: {  	v8 =	vmul.f32 v8, v8;
	v4 =	vsel vm3, v55, v4;
	v6 =	vadd.f32 v6, v7;
	v7 =	vld [tilespmem:s14+$0x140]  }
0xb2: {  	v20 =	vld [tilespmem:s14+$0x26B0];
	v11 =	vmul.f32 v11, v11;
	vm15 =	veq.f32 v0, v5;
	vm8 =	vlt.s32 v16, v4  }
0xb3: {  	v22 =	vld [tilespmem:s14+$0x1A40];
	v51 =	vmul.f32 v49, v49;
	vm3 =	vgt.f32 v0, v5;
	vm4 =	vmand vm8, vm15  }
0xb4: {  	s24 =	sadd.s32 $0x170, s14;
	v23 =	vld [tilespmem:s14+$0x150];
	[tilespmem:$0x1FEC0] =	vst v0;
	v5 =	vsel vm3, v0, v5;
	v0 =	vmin.f32 v17, v6;
	v6 =	vadd.f32 v11, v8  }
0xb5: {  	v53 =	vor.u32 s24, v40;
	v10 =	vsub.f32 v52, v3;
	v55 =	vld [tilespmem:s14+$0xE20];
	vm4 =	vmor vm3, vm4  }
0xb6: {  	v25 =	vld [tilespmem:s14+$0xDD0];
	vm9 =	vgt.f32 v0, v5;
	v6 =	vadd.f32 v21, v6;
	v7 =	vsub.f32 v7, v2  }
0xb7: {  	v4 =	vsel vm4, v16, v4;
	vm3 =	veq.f32 v0, v5;
	v5 =	vsel vm9, v0, v5  }
0xb8: {  	[tilespmem:$0x1FED0] =	vst v0;
	v0 =	vmin.f32 v20, v6;
	v6 =	vsub.f32 v22, v3;
	v7 =	vmul.f32 v7, v7  }
0xb9: {  	v56 =	vor.u32 s22, v40;
	v58 =	vmul.f32 v10, v10;
	vm4 =	vlt.s32 v19, v4  }
0xba: {  	v29 =	vld [tilespmem:s14+$0x26C0];
	v61 =	vsub.f32 v55, v1;
	v6 =	vmul.f32 v6, v6;
	v7 =	vadd.f32 v26, v7  }
0xbb: {  	v16 =	vld [tilespmem:s14+$0x1AB0];
	v8 =	vsub.f32 v23, v2;
	v11 =	vsub.f32 v25, v1;
	vm3 =	vmand vm4, vm3  }
0xbc: {  	v63 =	vmul.f32 v61, v61;
	vm3 =	vmor vm9, vm3;
	v6 =	vadd.f32 v6, v7;
	v7 =	vld [tilespmem:s14+$0x160]  }
0xbd: {  	v34 =	vld [tilespmem:s14+$0x1A60];
	v8 =	vmul.f32 v8, v8;
	v11 =	vmul.f32 v11, v11;
	v4 =	vsel vm3, v19, v4  }
0xbe: {  	v32 =	vld [tilespmem:s14+$0x26D0];
	vm3 =	vgt.f32 v0, v5;
	vm10 =	veq.f32 v0, v5;
	vm11 =	vlt.s32 v28, v4  }
0xbf: {  	s25 =	sadd.s32 $0x190, s14;
	[tilespmem:$0x1FEE0] =	vst v0;
	v5 =	vsel vm3, v0, v5;
	v0 =	vmin.f32 v29, v6;
	v6 =	vadd.f32 v11, v8  }
0xc0: {  	v35 =	vld [tilespmem:s14+$0x170];
	v17 =	vor.u32 s25, v40;
	v10 =	vsub.f32 v16, v3;
	vm4 =	vmand vm11, vm10  }
0xc1: {  	v37 =	vld [tilespmem:s14+$0xDF0];
	vm12 =	vgt.f32 v0, v5;
	v6 =	vadd.f32 v33, v6;
	v7 =	vsub.f32 v7, v2  }
0xc2: {  	v19 =	vld [tilespmem:s14+$0xE40];
	vm4 =	vmor vm3, vm4;
	vm3 =	veq.f32 v0, v5;
	v5 =	vsel vm12, v0, v5  }
0xc3: {  	s26 =	sadd.s32 $0x1A0, s14;
	[tilespmem:$0x1FEF0] =	vst v0;
	v0 =	vmin.f32 v32, v6;
	v6 =	vsub.f32 v34, v3;
	v7 =	vmul.f32 v7, v7  }
0xc4: {  	v20 =	vor.u32 s26, v40;
	v22 =	vmul.f32 v10, v10;
	v4 =	vsel vm4, v28, v4  }
0xc5: {  	v42 =	vld [tilespmem:s14+$0x26E0];
	vm4 =	vlt.s32 v31, v4;
	v6 =	vmul.f32 v6, v6;
	v7 =	vadd.f32 v38, v7  }
0xc6: {  	v8 =	vsub.f32 v35, v2;
	v11 =	vsub.f32 v37, v1;
	vm3 =	vmand vm4, vm3  }
0xc7: {  	v25 =	vsub.f32 v19, v1;
	vm3 =	vmor vm12, vm3;
	v6 =	vadd.f32 v6, v7;
	v7 =	vld [tilespmem:s18+$0x0]  }
0xc8: {  	v47 =	vld [tilespmem:s18+$0x1900];
	v8 =	vmul.f32 v8, v8;
	v11 =	vmul.f32 v11, v11;
	v4 =	vsel vm3, v31, v4  }
0xc9: {  	v45 =	vld [tilespmem:s14+$0x26F0];
	vm3 =	vgt.f32 v0, v5;
	vm13 =	veq.f32 v0, v5;
	vm14 =	vlt.s32 v41, v4  }
0xca: {  	s28 =	sadd.s32 $0x1B0, s14;
	v28 =	vld [tilespmem:s14+$0x1AD0];
	[tilespmem:$0x1FF00] =	vst v0;
	v5 =	vsel vm3, v0, v5;
	v0 =	vmin.f32 v42, v6;
	v6 =	vadd.f32 v11, v8  }
0xcb: {  	v48 =	vld [tilespmem:s14+$0x190];
	v27 =	vmul.f32 v25, v25;
	v29 =	vor.u32 s28, v40;
	vm4 =	vmand vm14, vm13  }
0xcc: {  	v50 =	vld [tilespmem:s14+$0xE10];
	vm15 =	vgt.f32 v0, v5;
	v6 =	vadd.f32 v46, v6;
	v7 =	vsub.f32 v7, v2  }
0xcd: {  	v31 =	vld [tilespmem:s14+$0xE60];
	vm4 =	vmor vm3, vm4;
	vm3 =	veq.f32 v0, v5;
	v5 =	vsel vm15, v0, v5  }
0xce: {  	s29 =	sadd.s32 $0x1C0, s14;
	[tilespmem:$0x1FF10] =	vst v0;
	v0 =	vmin.f32 v45, v6;
	v6 =	vsub.f32 v47, v3;
	v7 =	vmul.f32 v7, v7  }
0xcf: {  	v10 =	vsub.f32 v28, v3;
	v32 =	vor.u32 s29, v40;
	v4 =	vsel vm4, v41, v4  }
0xd0: {  	v54 =	vld [tilespmem:s18+$0x2580];
	vm4 =	vlt.s32 v44, v4;
	v6 =	vmul.f32 v6, v6;
	v7 =	vadd.f32 v51, v7  }
0xd1: {  	v8 =	vsub.f32 v48, v2;
	v11 =	vsub.f32 v50, v1;
	vm3 =	vmand vm4, vm3  }
0xd2: {  	v37 =	vsub.f32 v31, v1;
	vm3 =	vmor vm15, vm3;
	v6 =	vadd.f32 v6, v7;
	v7 =	vld [tilespmem:s14+$0x1A0]  }
0xd3: {  	v59 =	vld [tilespmem:s14+$0x1AA0];
	v8 =	vmul.f32 v8, v8;
	v11 =	vmul.f32 v11, v11;
	v4 =	vsel vm3, v44, v4  }
0xd4: {  	v57 =	vld [tilespmem:s14+$0x2710];
	vm3 =	vgt.f32 v0, v5;
	vm8 =	veq.f32 v0, v5;
	vm9 =	vlt.s32 v53, v4  }
0xd5: {  	v41 =	vld [tilespmem:s14+$0x1AF0];
	[tilespmem:$0x1FF30] =	vst v0;
	v5 =	vsel vm3, v0, v5;
	v0 =	vmin.f32 v54, v6;
	v6 =	vadd.f32 v11, v8  }
0xd6: {  	v60 =	vld [tilespmem:s14+$0x1B0];
	v34 =	vmul.f32 v10, v10;
	v39 =	vmul.f32 v37, v37;
	vm4 =	vmand vm9, vm8  }
0xd7: {  	v62 =	vld [tilespmem:s14+$0xE30];
	vm10 =	vgt.f32 v0, v5;
	v6 =	vadd.f32 v58, v6;
	v7 =	vsub.f32 v7, v2  }
0xd8: {  	vm4 =	vmor vm3, vm4;
	vm3 =	veq.f32 v0, v5;
	v5 =	vsel vm10, v0, v5  }
0xd9: {  	s30 =	sadd.s32 $0x1D0, s14;
	s31 =	sadd.s32 $0x200, s14;
	[tilespmem:$0x1FF20] =	vst v0;
	v0 =	vmin.f32 v57, v6;
	v6 =	vsub.f32 v59, v3;
	v7 =	vmul.f32 v7, v7  }
0xda: {  	s21 =	sand.u32 $0x1F80, s31;
	v42 =	vor.u32 s30, v40;
	v10 =	vsub.f32 v41, v3;
	v4 =	vsel vm4, v53, v4  }
0xdb: {  	v18 =	vld [tilespmem:s14+$0x2720];
	s19 =	sor.u32 s15, s21;
	vm4 =	vlt.s32 v56, v4;
	v6 =	vmul.f32 v6, v6;
	v7 =	vadd.f32 v63, v7  }
0xdc: {  	s21 =	sadd.s32 $0x1E0, s14;
	v44 =	vld [tilespmem:s19+$0xC80];
	v8 =	vsub.f32 v60, v2;
	v11 =	vsub.f32 v62, v1;
	vm3 =	vmand vm4, vm3  }
0xdd: {  	v45 =	vor.u32 s21, v40;
	vm3 =	vmor vm10, vm3;
	v6 =	vadd.f32 v6, v7;
	v7 =	vld [tilespmem:s14+$0x1C0]  }
0xde: {  	v23 =	vld [tilespmem:s14+$0x1AC0];
	v8 =	vmul.f32 v8, v8;
	v11 =	vmul.f32 v11, v11;
	v4 =	vsel vm3, v56, v4  }
0xdf: {  	v21 =	vld [tilespmem:s14+$0x2730];
	vm3 =	vgt.f32 v0, v5;
	vm11 =	veq.f32 v0, v5;
	vm12 =	vlt.s32 v17, v4  }
0xe0: {  	[tilespmem:$0x1FF40] =	vst v0;
	v5 =	vsel vm3, v0, v5;
	v0 =	vmin.f32 v18, v6;
	v6 =	vadd.f32 v11, v8  }
0xe1: {  	v24 =	vld [tilespmem:s14+$0x1D0];
	v47 =	vmul.f32 v10, v10;
	v50 =	vsub.f32 v44, v1;
	vm4 =	vmand vm12, vm11  }
0xe2: {  	v26 =	vld [tilespmem:s14+$0xE50];
	vm13 =	vgt.f32 v0, v5;
	v6 =	vadd.f32 v22, v6;
	v7 =	vsub.f32 v7, v2  }
0xe3: {  	vm4 =	vmor vm3, vm4;
	vm3 =	veq.f32 v0, v5;
	v5 =	vsel vm13, v0, v5  }
0xe4: {  	s28 =	sadd.s32 $0x250, s14;
	[tilespmem:$0x1FF50] =	vst v0;
	v0 =	vmin.f32 v21, v6;
	v6 =	vsub.f32 v23, v3;
	v7 =	vmul.f32 v7, v7  }
0xe5: {  	v44 =	vor.u32 s28, v40;
	v52 =	vmul.f32 v50, v50;
	v4 =	vsel vm4, v17, v4  }
0xe6: {  	v30 =	vld [tilespmem:s14+$0x2740];
	vm4 =	vlt.s32 v20, v4;
	v6 =	vmul.f32 v6, v6;
	v7 =	vadd.f32 v27, v7  }
0xe7: {  	s22 =	sadd.s32 $0x1F0, s14;
	v53 =	vld [tilespmem:s14+$0x1B10];
	v8 =	vsub.f32 v24, v2;
	v11 =	vsub.f32 v26, v1;
	vm3 =	vmand vm4, vm3  }
0xe8: {  	v54 =	vor.u32 s22, v40;
	vm3 =	vmor vm13, vm3;
	v6 =	vadd.f32 v6, v7;
	v7 =	vld [tilespmem:s14+$0x1E0]  }
0xe9: {  	v35 =	vld [tilespmem:s14+$0x1AE0];
	v8 =	vmul.f32 v8, v8;
	v11 =	vmul.f32 v11, v11;
	v4 =	vsel vm3, v20, v4  }
0xea: {  	v33 =	vld [tilespmem:s14+$0x2750];
	vm3 =	vgt.f32 v0, v5;
	vm14 =	veq.f32 v0, v5;
	vm15 =	vlt.s32 v29, v4  }
0xeb: {  	v56 =	vld [tilespmem:s14+$0xEA0];
	[tilespmem:$0x1FF60] =	vst v0;
	v5 =	vsel vm3, v0, v5;
	v0 =	vmin.f32 v30, v6;
	v6 =	vadd.f32 v11, v8  }
0xec: {  	v36 =	vld [tilespmem:s14+$0x1F0];
	v10 =	vsub.f32 v53, v3;
	v57 =	vor.u32 s31, v40;
	vm4 =	vmand vm15, vm14  }
0xed: {  	v38 =	vld [tilespmem:s14+$0xE70];
	vm8 =	vgt.f32 v0, v5;
	v6 =	vadd.f32 v34, v6;
	v7 =	vsub.f32 v7, v2  }
0xee: {  	vm4 =	vmor vm3, vm4;
	vm3 =	veq.f32 v0, v5;
	v5 =	vsel vm8, v0, v5  }
0xef: {  	[tilespmem:$0x1FF70] =	vst v0;
	v0 =	vmin.f32 v33, v6;
	v6 =	vsub.f32 v35, v3;
	v7 =	vmul.f32 v7, v7  }
0xf0: {  	v59 =	vmul.f32 v10, v10;
	v62 =	vsub.f32 v56, v1;
	v4 =	vsel vm4, v29, v4  }
0xf1: {  	v43 =	vld [tilespmem:s14+$0x2760];
	vm4 =	vlt.s32 v32, v4;
	v6 =	vmul.f32 v6, v6;
	v7 =	vadd.f32 v39, v7  }
0xf2: {  	s31 =	sadd.s32 $0x270, s14;
	v17 =	vld [tilespmem:s14+$0x1B30];
	v8 =	vsub.f32 v36, v2;
	v11 =	vsub.f32 v38, v1;
	vm3 =	vmand vm4, vm3  }
0xf3: {  	v56 =	vor.u32 s31, v40;
	vm3 =	vmor vm8, vm3;
	v6 =	vadd.f32 v6, v7;
	v7 =	vld [tilespmem:s19+$0x0]  }
0xf4: {  	v48 =	vld [tilespmem:s19+$0x1900];
	v8 =	vmul.f32 v8, v8;
	v11 =	vmul.f32 v11, v11;
	v4 =	vsel vm3, v32, v4  }
0xf5: {  	v46 =	vld [tilespmem:s14+$0x2770];
	vm3 =	vgt.f32 v0, v5;
	vm9 =	veq.f32 v0, v5;
	vm10 =	vlt.s32 v42, v4  }
0xf6: {  	[tilespmem:$0x1FF80] =	vst v0;
	v5 =	vsel vm3, v0, v5;
	v0 =	vmin.f32 v43, v6;
	v6 =	vadd.f32 v11, v8  }
0xf7: {  	v49 =	vld [tilespmem:s14+$0x210];
	v16 =	vmul.f32 v62, v62;
	v10 =	vsub.f32 v17, v3;
	vm4 =	vmand vm10, vm9  }
0xf8: {  	v51 =	vld [tilespmem:s14+$0xE90];
	vm11 =	vgt.f32 v0, v5;
	v6 =	vadd.f32 v47, v6;
	v7 =	vsub.f32 v7, v2  }
0xf9: {  	v20 =	vld [tilespmem:s14+$0xEC0];
	vm4 =	vmor vm3, vm4;
	vm3 =	veq.f32 v0, v5;
	v5 =	vsel vm11, v0, v5  }
0xfa: {  	s23 =	sadd.s32 $0x210, s14;
	s24 =	sadd.s32 $0x220, s14;
	[tilespmem:$0x1FF90] =	vst v0;
	v0 =	vmin.f32 v46, v6;
	v6 =	vsub.f32 v48, v3;
	v7 =	vmul.f32 v7, v7  }
0xfb: {  	v18 =	vor.u32 s23, v40;
	v21 =	vor.u32 s24, v40;
	v23 =	vmul.f32 v10, v10  }
0xfc: {  	v55 =	vld [tilespmem:s19+$0x2580];
	v4 =	vsel vm4, v42, v4;
	v6 =	vmul.f32 v6, v6;
	v7 =	vadd.f32 v52, v7  }
0xfd: {  	v60 =	vld [tilespmem:s14+$0x1B20];
	vm4 =	vlt.s32 v45, v4;
	v8 =	vsub.f32 v49, v2;
	v11 =	vsub.f32 v51, v1  }
0xfe: {  	v26 =	vsub.f32 v20, v1;
	vm3 =	vmand vm4, vm3;
	v6 =	vadd.f32 v6, v7;
	v7 =	vld [tilespmem:s14+$0x220]  }
0xff: {  	v29 =	vld [tilespmem:s14+$0x1B50];
	v8 =	vmul.f32 v8, v8;
	v11 =	vmul.f32 v11, v11;
	vm3 =	vmor vm11, vm3  }
0x100: {  	v58 =	vld [tilespmem:s14+$0x2790];
	v28 =	vmul.f32 v26, v26;
	v4 =	vsel vm3, v45, v4;
	vm12 =	veq.f32 v0, v5  }
0x101: {  	v61 =	vld [tilespmem:s14+$0x230];
	s25 =	sadd.s32 $0x230, s14;
	vm13 =	vlt.s32 v54, v4;
	v37 =	vmin.f32 v55, v6;
	v6 =	vadd.f32 v11, v8  }
0x102: {  	v30 =	vor.u32 s25, v40;
	vm3 =	vgt.f32 v0, v5;
	vm4 =	vmand vm13, vm12  }
0x103: {  	v63 =	vld [tilespmem:s14+$0xEB0];
	vm4 =	vmor vm3, vm4;
	v6 =	vadd.f32 v59, v6;
	v7 =	vsub.f32 v7, v2  }
0x104: {  	v10 =	vsub.f32 v29, v3;
	v5 =	vsel vm3, v0, v5;
	v4 =	vsel vm4, v54, v4  }
0x105: {  	s26 =	sadd.s32 $0x240, s14;
	[tilespmem:$0x1FFA0] =	vst v0;
	v0 =	vmin.f32 v58, v6;
	v6 =	vsub.f32 v60, v3;
	v7 =	vmul.f32 v7, v7  }
0x106: {  	v33 =	vor.u32 s26, v40;
	vm4 =	vlt.s32 v57, v4;
	v8 =	vsub.f32 v61, v2  }
0x107: {  	v19 =	vld [tilespmem:s14+$0x27A0];
	vm3 =	veq.f32 v37, v5;
	v6 =	vmul.f32 v6, v6;
	v7 =	vadd.f32 v16, v7  }
0x108: {  	v32 =	vld [tilespmem:s14+$0xEE0];
	v11 =	vsub.f32 v63, v1;
	vm14 =	vgt.f32 v37, v5;
	vm3 =	vmand vm4, vm3  }
0x109: {  	v5 =	vsel vm14, v37, v5;
	vm3 =	vmor vm14, vm3;
	v6 =	vadd.f32 v6, v7;
	v7 =	vld [tilespmem:s14+$0x240]  }
0x10a: {  	v24 =	vld [tilespmem:s14+$0x1B40];
	v8 =	vmul.f32 v8, v8;
	v11 =	vmul.f32 v11, v11;
	v4 =	vsel vm3, v57, v4  }
0x10b: {  	v22 =	vld [tilespmem:s14+$0x27B0];
	vm3 =	vgt.f32 v0, v5;
	vm15 =	veq.f32 v0, v5;
	vm8 =	vlt.s32 v18, v4  }
0x10c: {  	[tilespmem:$0x1FFB0] =	vst v0;
	v5 =	vsel vm3, v0, v5;
	v0 =	vmin.f32 v19, v6;
	v6 =	vadd.f32 v11, v8  }
0x10d: {  	v25 =	vld [tilespmem:s14+$0x250];
	v35 =	vmul.f32 v10, v10;
	v39 =	vsub.f32 v32, v1;
	vm4 =	vmand vm8, vm15  }
0x10e: {  	v27 =	vld [tilespmem:s14+$0xED0];
	vm9 =	vgt.f32 v0, v5;
	v6 =	vadd.f32 v23, v6;
	v7 =	vsub.f32 v7, v2  }
0x10f: {  	vm4 =	vmor vm3, vm4;
	vm3 =	veq.f32 v0, v5;
	v5 =	vsel vm9, v0, v5  }
0x110: {  	v31 =	vld [tilespmem:s14+$0x27C0];
	s25 =	sadd.s32 $0x2C0, s14;
	[tilespmem:$0x1FFC0] =	vst v0;
	v0 =	vmin.f32 v22, v6;
	v6 =	vsub.f32 v24, v3;
	v7 =	vmul.f32 v7, v7  }
0x111: {  	v41 =	vld [tilespmem:s14+$0xEF0];
	v42 =	vmul.f32 v39, v39;
	v39 =	vor.u32 s25, v40;
	v4 =	vsel vm4, v18, v4  }
0x112: {  	v36 =	vld [tilespmem:s14+$0x1B60];
	vm4 =	vlt.s32 v21, v4;
	v6 =	vmul.f32 v6, v6;
	v7 =	vadd.f32 v28, v7  }
0x113: {  	s29 =	sadd.s32 $0x280, s14;
	s22 =	sadd.s32 $0x260, s14;
	v43 =	vld [tilespmem:s14+$0x1B70];
	v8 =	vsub.f32 v25, v2;
	v11 =	vsub.f32 v27, v1;
	vm3 =	vmand vm4, vm3  }
0x114: {  	s30 =	sand.u32 $0x1F80, s29;
	v47 =	vor.u32 s22, v40;
	vm3 =	vmor vm9, vm3;
	v6 =	vadd.f32 v6, v7;
	v7 =	vld [tilespmem:s14+$0x260]  }
0x115: {  	s20 =	sor.u32 s15, s30;
	v34 =	vld [tilespmem:s14+$0x27D0];
	v8 =	vmul.f32 v8, v8;
	v11 =	vmul.f32 v11, v11;
	v4 =	vsel vm3, v21, v4  }
0x116: {  	v46 =	vld [tilespmem:s20+$0xC80];
	vm3 =	vgt.f32 v0, v5;
	vm10 =	veq.f32 v0, v5;
	vm11 =	vlt.s32 v30, v4  }
0x117: {  	v58 =	vld [tilespmem:s14+$0xF20];
	[tilespmem:$0x1FFD0] =	vst v0;
	v5 =	vsel vm3, v0, v5;
	v0 =	vmin.f32 v31, v6;
	v6 =	vadd.f32 v11, v8  }
0x118: {  	v10 =	vsub.f32 v43, v3;
	v55 =	vld [tilespmem:s14+$0x1B90];
	v59 =	vor.u32 s29, v40;
	vm4 =	vmand vm11, vm10  }
0x119: {  	s28 =	sadd.s32 $0x300, s14;
	v38 =	vld [tilespmem:s14+$0x270];
	vm12 =	vgt.f32 v0, v5;
	v6 =	vadd.f32 v35, v6;
	v7 =	vsub.f32 v7, v2  }
0x11a: {  	s29 =	sand.u32 $0x1F80, s28;
	vm4 =	vmor vm3, vm4;
	vm3 =	veq.f32 v0, v5;
	v5 =	vsel vm12, v0, v5  }
0x11b: {  	v45 =	vld [tilespmem:s14+$0x27E0];
	s21 =	sor.u32 s15, s29;
	[tilespmem:$0x1FFE0] =	vst v0;
	v0 =	vmin.f32 v34, v6;
	v6 =	vsub.f32 v36, v3;
	v7 =	vmul.f32 v7, v7  }
0x11c: {  	v49 =	vmul.f32 v10, v10;
	v52 =	vsub.f32 v46, v1;
	v16 =	vsub.f32 v58, v1;
	v58 =	vld [tilespmem:s21+$0xC80]  }
0x11d: {  	s22 =	sadd.s32 $0x290, s14;
	v10 =	vsub.f32 v55, v3;
	v22 =	vld [tilespmem:s14+$0xF40];
	v6 =	vmul.f32 v6, v6;
	v7 =	vadd.f32 v42, v7  }
0x11e: {  	v20 =	vor.u32 s22, v40;
	v19 =	vld [tilespmem:s14+$0x1BB0];
	v8 =	vsub.f32 v38, v2;
	v11 =	vsub.f32 v41, v1  }
0x11f: {  	v54 =	vmul.f32 v52, v52;
	v61 =	vmul.f32 v10, v10;
	v6 =	vadd.f32 v6, v7;
	v7 =	vld [tilespmem:s20+$0x0]  }
0x120: {  	v50 =	vld [tilespmem:s20+$0x1900];
	s23 =	sadd.s32 $0x2A0, s14;
	v4 =	vsel vm4, v30, v4;
	v8 =	vmul.f32 v8, v8;
	v11 =	vmul.f32 v11, v11  }
0x121: {  	v48 =	vld [tilespmem:s14+$0x27F0];
	v18 =	vmul.f32 v16, v16;
	v23 =	vor.u32 s23, v40;
	vm4 =	vlt.s32 v33, v4  }
0x122: {  	v28 =	vsub.f32 v22, v1;
	v22 =	vld [tilespmem:s14+$0xFA0];
	v32 =	vmin.f32 v45, v6;
	v6 =	vadd.f32 v11, v8  }
0x123: {  	v53 =	vld [tilespmem:s14+$0xF10];
	v16 =	vsub.f32 v58, v1;
	v10 =	vsub.f32 v19, v3;
	vm3 =	vmand vm4, vm3  }
0x124: {  	v51 =	vld [tilespmem:s14+$0x290];
	vm3 =	vmor vm12, vm3;
	v6 =	vadd.f32 v49, v6;
	v7 =	vsub.f32 v7, v2  }
0x125: {  	v25 =	vmul.f32 v10, v10;
	v30 =	vmul.f32 v28, v28;
	v38 =	vld [tilespmem:s14+$0xF60];
	v4 =	vsel vm3, v33, v4  }
0x126: {  	s24 =	sadd.s32 $0x2B0, s14;
	v33 =	vmin.f32 v48, v6;
	v6 =	vsub.f32 v50, v3;
	v7 =	vmul.f32 v7, v7  }
0x127: {  	v35 =	vor.u32 s24, v40;
	v28 =	vsub.f32 v22, v1;
	v34 =	vld [tilespmem:s14+$0x1BD0];
	vm3 =	vgt.f32 v0, v5  }
0x128: {  	v57 =	vld [tilespmem:s20+$0x2580];
	vm13 =	veq.f32 v0, v5;
	v6 =	vmul.f32 v6, v6;
	v7 =	vadd.f32 v54, v7  }
0x129: {  	v62 =	vld [tilespmem:s14+$0x1BA0];
	vm14 =	vlt.s32 v44, v4;
	v8 =	vsub.f32 v51, v2;
	v11 =	vsub.f32 v53, v1  }
0x12a: {  	v52 =	vsub.f32 v38, v1;
	vm4 =	vmand vm14, vm13;
	v6 =	vadd.f32 v6, v7;
	v7 =	vld [tilespmem:s14+$0x2A0]  }
0x12b: {  	v55 =	vld [tilespmem:s14+$0x1BF0];
	vm4 =	vmor vm3, vm4;
	v8 =	vmul.f32 v8, v8;
	v11 =	vmul.f32 v11, v11  }
0x12c: {  	v60 =	vld [tilespmem:s14+$0x2810];
	v5 =	vsel vm3, v0, v5;
	v4 =	vsel vm4, v44, v4;
	v10 =	vsub.f32 v34, v3  }
0x12d: {  	vm4 =	vlt.s32 v47, v4;
	v46 =	vmin.f32 v57, v6;
	v6 =	vadd.f32 v11, v8  }
0x12e: {  	v17 =	vld [tilespmem:s14+$0xF30];
	v42 =	vmul.f32 v10, v10;
	vm3 =	veq.f32 v32, v5;
	vm15 =	vgt.f32 v32, v5  }
0x12f: {  	v63 =	vld [tilespmem:s14+$0x2B0];
	vm3 =	vmand vm4, vm3;
	v6 =	vadd.f32 v61, v6;
	v7 =	vsub.f32 v7, v2  }
0x130: {  	v10 =	vsub.f32 v55, v3;
	v5 =	vsel vm15, v32, v5;
	vm3 =	vmor vm15, vm3  }
0x131: {  	v31 =	vmin.f32 v60, v6;
	v6 =	vsub.f32 v62, v3;
	v7 =	vmul.f32 v7, v7  }
0x132: {  	v4 =	vsel vm3, v47, v4;
	vm3 =	vgt.f32 v33, v5;
	vm8 =	veq.f32 v33, v5  }
0x133: {  	v21 =	vld [tilespmem:s14+$0x2820];
	vm9 =	vlt.s32 v56, v4;
	v6 =	vmul.f32 v6, v6;
	v7 =	vadd.f32 v18, v7  }
0x134: {  	v26 =	vld [tilespmem:s14+$0x1BC0];
	vm4 =	vmand vm9, vm8;
	v8 =	vsub.f32 v63, v2;
	v11 =	vsub.f32 v17, v1  }
0x135: {  	v5 =	vsel vm3, v33, v5;
	vm4 =	vmor vm3, vm4;
	v6 =	vadd.f32 v6, v7;
	v7 =	vld [tilespmem:s14+$0x2C0]  }
0x136: {  	v19 =	vld [tilespmem:s14+$0x1C10];
	v4 =	vsel vm4, v56, v4;
	v8 =	vmul.f32 v8, v8;
	v11 =	vmul.f32 v11, v11  }
0x137: {  	v24 =	vld [tilespmem:s14+$0x2830];
	v54 =	vmul.f32 v52, v52;
	vm4 =	vlt.s32 v59, v4;
	vm3 =	veq.f32 v46, v5  }
0x138: {  	s26 =	sadd.s32 $0x2D0, s14;
	vm10 =	vgt.f32 v46, v5;
	v45 =	vmin.f32 v21, v6;
	v6 =	vadd.f32 v11, v8  }
0x139: {  	v29 =	vld [tilespmem:s14+$0xF50];
	v56 =	vor.u32 s26, v40;
	vm3 =	vmand vm4, vm3;
	v5 =	vsel vm10, v46, v5  }
0x13a: {  	v27 =	vld [tilespmem:s14+$0x2D0];
	vm3 =	vmor vm10, vm3;
	v6 =	vadd.f32 v25, v6;
	v7 =	vsub.f32 v7, v2  }
0x13b: {  	v61 =	vmul.f32 v10, v10;
	v10 =	vsub.f32 v19, v3;
	v4 =	vsel vm3, v59, v4  }
0x13c: {  	s23 =	sadd.s32 $0x2E0, s14;
	v47 =	vmin.f32 v24, v6;
	v6 =	vsub.f32 v26, v3;
	v7 =	vmul.f32 v7, v7  }
0x13d: {  	v59 =	vor.u32 s23, v40;
	vm3 =	vgt.f32 v31, v5;
	vm11 =	veq.f32 v31, v5  }
0x13e: {  	v36 =	vld [tilespmem:s14+$0x2840];
	vm12 =	vlt.s32 v20, v4;
	v6 =	vmul.f32 v6, v6;
	v7 =	vadd.f32 v30, v7  }
0x13f: {  	v43 =	vld [tilespmem:s14+$0x1BE0];
	vm4 =	vmand vm12, vm11;
	v8 =	vsub.f32 v27, v2;
	v11 =	vsub.f32 v29, v1  }
0x140: {  	v5 =	vsel vm3, v31, v5;
	vm4 =	vmor vm3, vm4;
	v6 =	vadd.f32 v6, v7;
	v7 =	vld [tilespmem:s14+$0x2E0]  }
0x141: {  	s25 =	sadd.s32 $0x340, s14;
	v34 =	vld [tilespmem:s14+$0x1C30];
	v4 =	vsel vm4, v20, v4;
	v8 =	vmul.f32 v8, v8;
	v11 =	vmul.f32 v11, v11  }
0x142: {  	v41 =	vld [tilespmem:s14+$0x2850];
	v18 =	vmul.f32 v16, v16;
	v16 =	vor.u32 s25, v40;
	vm4 =	vlt.s32 v23, v4  }
0x143: {  	s30 =	sadd.s32 $0x2F0, s14;
	vm3 =	veq.f32 v45, v5;
	v48 =	vmin.f32 v36, v6;
	v6 =	vadd.f32 v11, v8  }
0x144: {  	v44 =	vld [tilespmem:s14+$0x2F0];
	v20 =	vor.u32 s30, v40;
	vm13 =	vgt.f32 v45, v5;
	vm3 =	vmand vm4, vm3  }
0x145: {  	v53 =	vld [tilespmem:s14+$0xF70];
	v5 =	vsel vm13, v45, v5;
	v6 =	vadd.f32 v42, v6;
	v7 =	vsub.f32 v7, v2  }
0x146: {  	v25 =	vmul.f32 v10, v10;
	v10 =	vsub.f32 v34, v3;
	vm3 =	vmor vm13, vm3  }
0x147: {  	v49 =	vmin.f32 v41, v6;
	v6 =	vsub.f32 v43, v3;
	v7 =	vmul.f32 v7, v7  }
0x148: {  	v4 =	vsel vm3, v23, v4;
	vm3 =	vgt.f32 v47, v5;
	vm14 =	veq.f32 v47, v5  }
0x149: {  	v57 =	vld [tilespmem:s14+$0x2860];
	vm15 =	vlt.s32 v35, v4;
	v6 =	vmul.f32 v6, v6;
	v7 =	vadd.f32 v54, v7  }
0x14a: {  	vm4 =	vmand vm15, vm14;
	v8 =	vsub.f32 v44, v2;
	v11 =	vsub.f32 v53, v1  }
0x14b: {  	v23 =	vor.u32 s28, v40;
	vm4 =	vmor vm3, vm4;
	v6 =	vadd.f32 v6, v7;
	v7 =	vld [tilespmem:s21+$0x0]  }
0x14c: {  	v60 =	vld [tilespmem:s14+$0x2870];
	v4 =	vsel vm4, v35, v4;
	v8 =	vmul.f32 v8, v8;
	v11 =	vmul.f32 v11, v11  }
0x14d: {  	v62 =	vld [tilespmem:s21+$0x1900];
	v5 =	vsel vm3, v47, v5;
	v30 =	vmul.f32 v28, v28;
	vm4 =	vlt.s32 v39, v4  }
0x14e: {  	s31 =	sadd.s32 $0x310, s14;
	vm3 =	veq.f32 v48, v5;
	v50 =	vmin.f32 v57, v6;
	v6 =	vadd.f32 v11, v8  }
0x14f: {  	v63 =	vld [tilespmem:s14+$0x310];
	v35 =	vor.u32 s31, v40;
	vm8 =	vgt.f32 v48, v5;
	vm3 =	vmand vm4, vm3  }
0x150: {  	v17 =	vld [tilespmem:s14+$0xF90];
	vm3 =	vmor vm8, vm3;
	v6 =	vadd.f32 v61, v6;
	v7 =	vsub.f32 v7, v2  }
0x151: {  	v5 =	vsel vm8, v48, v5;
	v42 =	vmul.f32 v10, v10;
	v4 =	vsel vm3, v39, v4  }
0x152: {  	s23 =	sadd.s32 $0x320, s14;
	v51 =	vmin.f32 v60, v6;
	v6 =	vsub.f32 v62, v3;
	v7 =	vmul.f32 v7, v7  }
0x153: {  	v39 =	vor.u32 s23, v40;
	vm3 =	vgt.f32 v49, v5;
	vm9 =	veq.f32 v49, v5  }
0x154: {  	v21 =	vld [tilespmem:s21+$0x2580];
	vm10 =	vlt.s32 v56, v4;
	v6 =	vmul.f32 v6, v6;
	v7 =	vadd.f32 v18, v7  }
0x155: {  	v38 =	vld [tilespmem:s14+$0xFC0];
	vm4 =	vmand vm10, vm9;
	v8 =	vsub.f32 v63, v2;
	v11 =	vsub.f32 v17, v1  }
0x156: {  	v5 =	vsel vm3, v49, v5;
	vm4 =	vmor vm3, vm4;
	v6 =	vadd.f32 v6, v7;
	v7 =	vld [tilespmem:s14+$0x320]  }
0x157: {  	v24 =	vld [tilespmem:s14+$0x2890];
	v4 =	vsel vm4, v56, v4;
	v8 =	vmul.f32 v8, v8;
	v11 =	vmul.f32 v11, v11  }
0x158: {  	v26 =	vld [tilespmem:s14+$0x1C20];
	vm4 =	vlt.s32 v59, v4;
	vm3 =	veq.f32 v50, v5;
	vm11 =	vgt.f32 v50, v5  }
0x159: {  	vm3 =	vmand vm4, vm3;
	v52 =	vmin.f32 v21, v6;
	v6 =	vadd.f32 v11, v8  }
0x15a: {  	v27 =	vld [tilespmem:s14+$0x330];
	v57 =	vsub.f32 v38, v1;
	v5 =	vsel vm11, v50, v5;
	vm3 =	vmor vm11, vm3  }
0x15b: {  	s24 =	sadd.s32 $0x330, s14;
	v29 =	vld [tilespmem:s14+$0xFB0];
	v4 =	vsel vm3, v59, v4;
	v6 =	vadd.f32 v25, v6;
	v7 =	vsub.f32 v7, v2  }
0x15c: {  	v61 =	vor.u32 s24, v40;
	v60 =	vld [tilespmem:s14+$0x1C50];
	vm12 =	veq.f32 v51, v5;
	vm13 =	vlt.s32 v20, v4  }
0x15d: {  	v53 =	vmin.f32 v24, v6;
	v6 =	vsub.f32 v26, v3;
	v7 =	vmul.f32 v7, v7  }
0x15e: {  	v59 =	vmul.f32 v57, v57;
	vm3 =	vgt.f32 v51, v5;
	vm4 =	vmand vm13, vm12  }
0x15f: {  	v36 =	vld [tilespmem:s14+$0x28A0];
	v5 =	vsel vm3, v51, v5;
	v6 =	vmul.f32 v6, v6;
	v7 =	vadd.f32 v30, v7  }
0x160: {  	v63 =	vld [tilespmem:s14+$0xFE0];
	vm4 =	vmor vm3, vm4;
	v8 =	vsub.f32 v27, v2;
	v11 =	vsub.f32 v29, v1  }
0x161: {  	v4 =	vsel vm4, v20, v4;
	v10 =	vsub.f32 v60, v3;
	v6 =	vadd.f32 v6, v7;
	v7 =	vld [tilespmem:s14+$0x340]  }
0x162: {  	v41 =	vld [tilespmem:s14+$0x28B0];
	vm4 =	vlt.s32 v23, v4;
	v8 =	vmul.f32 v8, v8;
	v11 =	vmul.f32 v11, v11  }
0x163: {  	v43 =	vld [tilespmem:s14+$0x1C40];
	v18 =	vmul.f32 v10, v10;
	vm3 =	veq.f32 v52, v5;
	vm14 =	vgt.f32 v52, v5  }
0x164: {  	vm3 =	vmand vm4, vm3;
	v54 =	vmin.f32 v36, v6;
	v6 =	vadd.f32 v11, v8  }
0x165: {  	v58 =	vld [tilespmem:s14+$0xFD0];
	v21 =	vsub.f32 v63, v1;
	v5 =	vsel vm14, v52, v5;
	vm3 =	vmor vm14, vm3  }
0x166: {  	v44 =	vld [tilespmem:s14+$0x350];
	v4 =	vsel vm3, v23, v4;
	v6 =	vadd.f32 v42, v6;
	v7 =	vsub.f32 v7, v2  }
0x167: {  	vm3 =	vgt.f32 v53, v5;
	vm15 =	veq.f32 v53, v5;
	vm8 =	vlt.s32 v35, v4  }
0x168: {  	s26 =	sadd.s32 $0x380, s14;
	s28 =	sadd.s32 $0x350, s14;
	v55 =	vmin.f32 v41, v6;
	v6 =	vsub.f32 v43, v3;
	v7 =	vmul.f32 v7, v7  }
0x169: {  	s24 =	sand.u32 $0x1F80, s26;
	v25 =	vor.u32 s28, v40;
	vm4 =	vmand vm8, vm15;
	v5 =	vsel vm3, v53, v5  }
0x16a: {  	s22 =	sor.u32 s15, s24;
	v62 =	vld [tilespmem:s14+$0x28C0];
	vm4 =	vmor vm3, vm4;
	v6 =	vmul.f32 v6, v6;
	v7 =	vadd.f32 v59, v7  }
0x16b: {  	v27 =	vld [tilespmem:s22+$0x0];
	v4 =	vsel vm4, v35, v4;
	v8 =	vsub.f32 v44, v2;
	v11 =	vsub.f32 v58, v1  }
0x16c: {  	vm4 =	vlt.s32 v39, v4;
	vm3 =	veq.f32 v54, v5;
	v6 =	vadd.f32 v6, v7;
	v7 =	vld [tilespmem:s14+$0x360]  }
0x16d: {  	v19 =	vld [tilespmem:s14+$0x1C60];
	vm9 =	vgt.f32 v54, v5;
	v8 =	vmul.f32 v8, v8;
	v11 =	vmul.f32 v11, v11  }
0x16e: {  	v17 =	vld [tilespmem:s14+$0x28D0];
	v23 =	vmul.f32 v21, v21;
	vm3 =	vmand vm4, vm3;
	v5 =	vsel vm9, v54, v5  }
0x16f: {  	v28 =	vld [tilespmem:s22+$0xC80];
	vm3 =	vmor vm9, vm3;
	v56 =	vmin.f32 v62, v6;
	v6 =	vadd.f32 v11, v8  }
0x170: {  	v9 =	vsub.f32 v27, v2;
	v4 =	vsel vm3, v39, v4;
	vm10 =	veq.f32 v55, v5  }
0x171: {  	s29 =	sadd.s32 $0x360, s14;
	v20 =	vld [tilespmem:s14+$0x370];
	vm11 =	vlt.s32 v61, v4;
	v6 =	vadd.f32 v18, v6;
	v7 =	vsub.f32 v7, v2  }
0x172: {  	v22 =	vld [tilespmem:s14+$0xFF0];
	v30 =	vor.u32 s29, v40;
	vm3 =	vgt.f32 v55, v5;
	vm4 =	vmand vm11, vm10  }
0x173: {  	v57 =	vmin.f32 v17, v6;
	v6 =	vsub.f32 v19, v3;
	v7 =	vmul.f32 v7, v7  }
0x174: {  	v26 =	vld [tilespmem:s14+$0x28E0];
	v9 =	vmul.f32 v9, v9;
	v35 =	vsub.f32 v28, v1;
	vm4 =	vmor vm3, vm4  }
0x175: {  	v24 =	vld [tilespmem:s14+$0x1C70];
	v4 =	vsel vm4, v61, v4;
	v6 =	vmul.f32 v6, v6;
	v7 =	vadd.f32 v23, v7  }
0x176: {  	v5 =	vsel vm3, v55, v5;
	vm4 =	vlt.s32 v16, v4;
	v8 =	vsub.f32 v20, v2  }
0x177: {  	v11 =	vsub.f32 v22, v1;
	vm3 =	veq.f32 v56, v5;
	v6 =	vadd.f32 v6, v7  }
0x178: {  	vm12 =	vgt.f32 v56, v5;
	vm3 =	vmand vm4, vm3;
	v8 =	vmul.f32 v8, v8  }
0x179: {  	v29 =	vmul.f32 v11, v11;
	vm3 =	vmor vm12, vm3;
	v58 =	vmin.f32 v26, v6;
	v6 =	vld [tilespmem:s22+$0x1900]  }
0x17a: {  	v5 =	vsel vm12, v56, v5;
	v4 =	vsel vm3, v16, v4;
	v7 =	vsub.f32 v24, v3  }
0x17b: {  	v34 =	vld [tilespmem:s14+$0x28F0];
	v8 =	vadd.f32 v29, v8;
	vm13 =	veq.f32 v57, v5;
	vm14 =	vlt.s32 v25, v4  }
0x17c: {  	v36 =	vld [tilespmem:s14+$0x390];
	vm3 =	vgt.f32 v57, v5;
	vm4 =	vmand vm14, vm13;
	v7 =	vmul.f32 v7, v7  }
0x17d: {  	v12 =	vmul.f32 v35, v35;
	v5 =	vsel vm3, v57, v5;
	vm3 =	vmor vm3, vm4  }
0x17e: {  	s30 =	sadd.s32 $0x370, s14;
	v38 =	vld [tilespmem:s14+$0x1010];
	v4 =	vsel vm3, v25, v4;
	v7 =	vadd.f32 v7, v8;
	v6 =	vsub.f32 v6, v3  }
0x17f: {  	v39 =	vld [tilespmem:s14+$0x1C90];
	v41 =	vor.u32 s30, v40;
	vm15 =	vlt.s32 v30, v4;
	vm3 =	veq.f32 v58, v5  }
0x180: {  	v44 =	vld [tilespmem:s14+$0x3A0];
	v59 =	vmin.f32 v34, v7;
	v7 =	vadd.f32 v12, v9;
	v6 =	vmul.f32 v6, v6  }
0x181: {  	v42 =	vld [tilespmem:s22+$0x2580];
	v43 =	vsub.f32 v36, v2;
	vm8 =	vgt.f32 v58, v5;
	vm3 =	vmand vm15, vm3  }
0x182: {  	v5 =	vsel vm8, v58, v5;
	vm3 =	vmor vm8, vm3;
	v6 =	vadd.f32 v6, v7;
	v7 =	vld [tilespmem:s14+$0x1020]  }
0x183: {  	v8 =	vsub.f32 v38, v1;
	v4 =	vsel vm3, v30, v4;
	v12 =	vmul.f32 v43, v43  }
0x184: {  	v9 =	vsub.f32 v39, v3;
	vm3 =	veq.f32 v59, v5;
	vm9 =	vlt.s32 v41, v4  }
0x185: {  	v62 =	vld [tilespmem:s14+$0x1CA0];
	v8 =	vmul.f32 v8, v8;
	vm5 =	vgt.f32 v59, v5;
	vm3 =	vmand vm9, vm3  }
0x186: {  	v16 =	vld [tilespmem:s14+$0x2910];
	v17 =	vsub.f32 v44, v2;
	v9 =	vmul.f32 v9, v9;
	vm3 =	vmor vm5, vm3  }
0x187: {  	v18 =	vld [tilespmem:s14+$0x3B0];
	v60 =	vmin.f32 v42, v6;
	v6 =	vadd.f32 v8, v12;
	v7 =	vsub.f32 v7, v1  }
0x188: {  	v63 =	vor.u32 s26, v40;
	v19 =	vld [tilespmem:s14+$0x1030];
	v4 =	vsel vm3, v41, v4  }
0x189: {  	s31 =	sadd.s32 $0x390, s14;
	v12 =	vmul.f32 v17, v17;
	v6 =	vadd.f32 v9, v6;
	v7 =	vmul.f32 v7, v7  }
0x18a: {  	v20 =	vor.u32 s31, v40;
	v5 =	vsel vm5, v59, v5;
	vm10 =	vlt.s32 v63, v4  }
0x18b: {  	vm3 =	veq.f32 v60, v5;
	v61 =	vmin.f32 v16, v6;
	v6 =	vadd.f32 v7, v12;
	v7 =	vld [tilespmem:s14+$0x1CB0]  }
0x18c: {  	v8 =	vsub.f32 v62, v3;
	vm5 =	vgt.f32 v60, v5;
	vm3 =	vmand vm10, vm3  }
0x18d: {  	v21 =	vld [tilespmem:s14+$0x2920];
	v22 =	vsub.f32 v18, v2;
	v9 =	vsub.f32 v19, v1;
	vm3 =	vmor vm5, vm3  }
0x18e: {  	v5 =	vsel vm5, v60, v5;
	v8 =	vmul.f32 v8, v8;
	v4 =	vsel vm3, v63, v4  }
0x18f: {  	v23 =	vld [tilespmem:s14+$0x3C0];
	v9 =	vmul.f32 v9, v9;
	vm3 =	veq.f32 v61, v5;
	vm11 =	vlt.s32 v20, v4  }
0x190: {  	v24 =	vld [tilespmem:s14+$0x1040];
	v12 =	vmul.f32 v22, v22;
	v6 =	vadd.f32 v8, v6;
	v7 =	vsub.f32 v7, v3  }
0x191: {  	v25 =	vld [tilespmem:s14+$0x1CC0];
	vm5 =	vgt.f32 v61, v5;
	vm3 =	vmand vm11, vm3  }
0x192: {  	s24 =	sadd.s32 $0x3A0, s14;
	v27 =	vld [tilespmem:s14+$0x2930];
	v62 =	vmin.f32 v21, v6;
	v6 =	vadd.f32 v9, v12;
	v7 =	vmul.f32 v7, v7  }
0x193: {  	v29 =	vld [tilespmem:s14+$0x3D0];
	v26 =	vor.u32 s24, v40;
	vm3 =	vmor vm5, vm3  }
0x194: {  	v28 =	vsub.f32 v23, v2;
	v4 =	vsel vm3, v20, v4;
	v6 =	vadd.f32 v7, v6;
	v7 =	vld [tilespmem:s14+$0x1050]  }
0x195: {  	v5 =	vsel vm5, v61, v5;
	vm12 =	vlt.s32 v26, v4;
	v8 =	vsub.f32 v24, v1  }
0x196: {  	v12 =	vmul.f32 v28, v28;
	v9 =	vsub.f32 v25, v3;
	vm3 =	veq.f32 v62, v5  }
0x197: {  	v38 =	vld [tilespmem:s14+$0x3E0];
	v8 =	vmul.f32 v8, v8;
	vm5 =	vgt.f32 v62, v5;
	vm3 =	vmand vm12, vm3  }
0x198: {  	v35 =	vld [tilespmem:s14+$0x2940];
	v36 =	vsub.f32 v29, v2;
	v9 =	vmul.f32 v9, v9;
	vm3 =	vmor vm5, vm3  }
0x199: {  	s25 =	sadd.s32 $0x3B0, s14;
	v30 =	vld [tilespmem:s14+$0x1CD0];
	v63 =	vmin.f32 v27, v6;
	v6 =	vadd.f32 v8, v12;
	v7 =	vsub.f32 v7, v1  }
0x19a: {  	v34 =	vor.u32 s25, v40;
	v39 =	vld [tilespmem:s14+$0x1060];
	v4 =	vsel vm3, v26, v4  }
0x19b: {  	v12 =	vmul.f32 v36, v36;
	v6 =	vadd.f32 v9, v6;
	v7 =	vmul.f32 v7, v7  }
0x19c: {  	v43 =	vsub.f32 v38, v2;
	v5 =	vsel vm5, v62, v5;
	vm13 =	vlt.s32 v34, v4  }
0x19d: {  	vm3 =	veq.f32 v63, v5;
	v44 =	vmin.f32 v35, v6;
	v6 =	vadd.f32 v7, v12;
	v7 =	vld [tilespmem:s14+$0x1CE0]  }
0x19e: {  	s26 =	sadd.s32 $0x3C0, s14;
	v8 =	vsub.f32 v30, v3;
	vm5 =	vgt.f32 v63, v5;
	vm3 =	vmand vm13, vm3  }
0x19f: {  	v41 =	vor.u32 s26, v40;
	v42 =	vld [tilespmem:s14+$0x2950];
	v9 =	vsub.f32 v39, v1;
	vm3 =	vmor vm5, vm3  }
0x1a0: {  	v5 =	vsel vm5, v63, v5;
	v8 =	vmul.f32 v8, v8;
	v4 =	vsel vm3, v34, v4  }
0x1a1: {  	s28 =	sadd.s32 $0x400, s14;
	v16 =	vld [tilespmem:s14+$0x3F0];
	v9 =	vmul.f32 v9, v9;
	vm3 =	veq.f32 v44, v5;
	vm14 =	vlt.s32 v41, v4  }
0x1a2: {  	s29 =	sand.u32 $0x1F80, s28;
	v17 =	vld [tilespmem:s14+$0x1070];
	v12 =	vmul.f32 v43, v43;
	v6 =	vadd.f32 v8, v6;
	v7 =	vsub.f32 v7, v3  }
0x1a3: {  	s23 =	sor.u32 s15, s29;
	v18 =	vld [tilespmem:s14+$0x1CF0];
	vm5 =	vgt.f32 v44, v5;
	vm3 =	vmand vm14, vm3  }
0x1a4: {  	s25 =	sadd.s32 $0x3D0, s14;
	v22 =	vld [tilespmem:s23+$0x0];
	v43 =	vmin.f32 v42, v6;
	v6 =	vadd.f32 v9, v12;
	v7 =	vmul.f32 v7, v7  }
0x1a5: {  	v19 =	vor.u32 s25, v40;
	v20 =	vld [tilespmem:s14+$0x2960];
	vm3 =	vmor vm5, vm3  }
0x1a6: {  	v21 =	vsub.f32 v16, v2;
	v4 =	vsel vm3, v41, v4;
	v6 =	vadd.f32 v7, v6;
	v7 =	vld [tilespmem:s23+$0xC80]  }
0x1a7: {  	v5 =	vsel vm5, v44, v5;
	vm15 =	vlt.s32 v19, v4;
	v8 =	vsub.f32 v17, v1  }
0x1a8: {  	v12 =	vmul.f32 v21, v21;
	v9 =	vsub.f32 v18, v3;
	vm3 =	veq.f32 v43, v5  }
0x1a9: {  	v23 =	vld [tilespmem:s23+$0x1900];
	v8 =	vmul.f32 v8, v8;
	vm5 =	vgt.f32 v43, v5;
	vm3 =	vmand vm15, vm3  }
0x1aa: {  	v25 =	vld [tilespmem:s14+$0x2970];
	v26 =	vsub.f32 v22, v2;
	v9 =	vmul.f32 v9, v9;
	vm3 =	vmor vm5, vm3  }
0x1ab: {  	s30 =	sadd.s32 $0x3E0, s14;
	v28 =	vld [tilespmem:s14+$0x1090];
	v42 =	vmin.f32 v20, v6;
	v6 =	vadd.f32 v8, v12;
	v7 =	vsub.f32 v7, v1  }
0x1ac: {  	v24 =	vor.u32 s30, v40;
	v27 =	vld [tilespmem:s14+$0x410];
	v4 =	vsel vm3, v19, v4  }
0x1ad: {  	s31 =	sadd.s32 $0x3F0, s14;
	v12 =	vmul.f32 v26, v26;
	v6 =	vadd.f32 v9, v6;
	v7 =	vmul.f32 v7, v7  }
0x1ae: {  	v29 =	vor.u32 s31, v40;
	v5 =	vsel vm5, v43, v5;
	vm8 =	vlt.s32 v24, v4  }
0x1af: {  	vm3 =	veq.f32 v42, v5;
	v41 =	vmin.f32 v25, v6;
	v6 =	vadd.f32 v7, v12;
	v7 =	vld [tilespmem:s14+$0x1D10]  }
0x1b0: {  	v8 =	vsub.f32 v23, v3;
	vm5 =	vgt.f32 v42, v5;
	vm3 =	vmand vm8, vm3  }
0x1b1: {  	v30 =	vld [tilespmem:s23+$0x2580];
	v34 =	vsub.f32 v27, v2;
	v9 =	vsub.f32 v28, v1;
	vm3 =	vmor vm5, vm3  }
0x1b2: {  	v5 =	vsel vm5, v42, v5;
	v8 =	vmul.f32 v8, v8;
	v4 =	vsel vm3, v24, v4  }
0x1b3: {  	v35 =	vld [tilespmem:s14+$0x420];
	v9 =	vmul.f32 v9, v9;
	vm3 =	veq.f32 v41, v5;
	vm9 =	vlt.s32 v29, v4  }
0x1b4: {  	v16 =	vld [tilespmem:s14+$0x10A0];
	v12 =	vmul.f32 v34, v34;
	v6 =	vadd.f32 v8, v6;
	v7 =	vsub.f32 v7, v3  }
0x1b5: {  	v17 =	vld [tilespmem:s14+$0x1D20];
	vm5 =	vgt.f32 v41, v5;
	vm3 =	vmand vm9, vm3  }
0x1b6: {  	v21 =	vld [tilespmem:s14+$0x430];
	v38 =	vmin.f32 v30, v6;
	v6 =	vadd.f32 v9, v12;
	v7 =	vmul.f32 v7, v7  }
0x1b7: {  	v18 =	vor.u32 s28, v40;
	v19 =	vld [tilespmem:s14+$0x2990];
	vm3 =	vmor vm5, vm3  }
0x1b8: {  	v20 =	vsub.f32 v35, v2;
	v4 =	vsel vm3, v29, v4;
	v6 =	vadd.f32 v7, v6;
	v7 =	vld [tilespmem:s14+$0x10B0]  }
0x1b9: {  	v5 =	vsel vm5, v41, v5;
	vm10 =	vlt.s32 v18, v4;
	v8 =	vsub.f32 v16, v1  }
0x1ba: {  	v12 =	vmul.f32 v20, v20;
	v9 =	vsub.f32 v17, v3;
	vm3 =	veq.f32 v38, v5  }
0x1bb: {  	v22 =	vld [tilespmem:s14+$0x1D30];
	v8 =	vmul.f32 v8, v8;
	vm5 =	vgt.f32 v38, v5;
	vm3 =	vmand vm10, vm3  }
0x1bc: {  	v24 =	vld [tilespmem:s14+$0x29A0];
	v25 =	vsub.f32 v21, v2;
	v9 =	vmul.f32 v9, v9;
	vm3 =	vmor vm5, vm3  }
0x1bd: {  	s25 =	sadd.s32 $0x410, s14;
	v26 =	vld [tilespmem:s14+$0x440];
	v36 =	vmin.f32 v19, v6;
	v6 =	vadd.f32 v8, v12;
	v7 =	vsub.f32 v7, v1  }
0x1be: {  	v23 =	vor.u32 s25, v40;
	v34 =	vld [tilespmem:s14+$0x10C0];
	v4 =	vsel vm3, v18, v4  }
0x1bf: {  	s26 =	sadd.s32 $0x420, s14;
	v12 =	vmul.f32 v25, v25;
	v6 =	vadd.f32 v9, v6;
	v7 =	vmul.f32 v7, v7  }
0x1c0: {  	v35 =	vor.u32 s26, v40;
	v5 =	vsel vm5, v38, v5;
	vm11 =	vlt.s32 v23, v4  }
0x1c1: {  	vm3 =	veq.f32 v36, v5;
	v29 =	vmin.f32 v24, v6;
	v6 =	vadd.f32 v7, v12;
	v7 =	vld [tilespmem:s14+$0x1D40]  }
0x1c2: {  	v8 =	vsub.f32 v22, v3;
	vm5 =	vgt.f32 v36, v5;
	vm3 =	vmand vm11, vm3  }
0x1c3: {  	v39 =	vld [tilespmem:s14+$0x29B0];
	v16 =	vsub.f32 v26, v2;
	v9 =	vsub.f32 v34, v1;
	vm3 =	vmor vm5, vm3  }
0x1c4: {  	v17 =	vld [tilespmem:s14+$0x450];
	v5 =	vsel vm5, v36, v5;
	v8 =	vmul.f32 v8, v8;
	v4 =	vsel vm3, v23, v4  }
0x1c5: {  	v9 =	vmul.f32 v9, v9;
	vm3 =	veq.f32 v29, v5;
	vm12 =	vlt.s32 v35, v4  }
0x1c6: {  	s28 =	sadd.s32 $0x430, s14;
	v18 =	vld [tilespmem:s14+$0x10D0];
	v12 =	vmul.f32 v16, v16;
	v6 =	vadd.f32 v8, v6;
	v7 =	vsub.f32 v7, v3  }
0x1c7: {  	v20 =	vor.u32 s28, v40;
	v19 =	vld [tilespmem:s14+$0x1D50];
	vm5 =	vgt.f32 v29, v5;
	vm3 =	vmand vm12, vm3  }
0x1c8: {  	s29 =	sadd.s32 $0x440, s14;
	v21 =	vld [tilespmem:s14+$0x29C0];
	v28 =	vmin.f32 v39, v6;
	v6 =	vadd.f32 v9, v12;
	v7 =	vmul.f32 v7, v7  }
0x1c9: {  	v30 =	vor.u32 s29, v40;
	v22 =	vsub.f32 v17, v2;
	v23 =	vld [tilespmem:s14+$0x460];
	vm3 =	vmor vm5, vm3  }
0x1ca: {  	v5 =	vsel vm5, v29, v5;
	v4 =	vsel vm3, v35, v4;
	v6 =	vadd.f32 v7, v6;
	v7 =	vld [tilespmem:s14+$0x10E0]  }
0x1cb: {  	vm13 =	vlt.s32 v20, v4;
	v8 =	vsub.f32 v18, v1;
	vm3 =	veq.f32 v28, v5  }
0x1cc: {  	v9 =	vsub.f32 v19, v3;
	vm5 =	vgt.f32 v28, v5;
	vm3 =	vmand vm13, vm3  }
0x1cd: {  	v26 =	vld [tilespmem:s14+$0x1D60];
	v12 =	vmul.f32 v22, v22;
	v8 =	vmul.f32 v8, v8;
	vm3 =	vmor vm5, vm3  }
0x1ce: {  	v34 =	vld [tilespmem:s14+$0x29D0];
	v35 =	vsub.f32 v23, v2;
	v9 =	vmul.f32 v9, v9;
	v4 =	vsel vm3, v20, v4  }
0x1cf: {  	v39 =	vld [tilespmem:s14+$0x470];
	v27 =	vmin.f32 v21, v6;
	v6 =	vadd.f32 v8, v12;
	v7 =	vsub.f32 v7, v1  }
0x1d0: {  	v16 =	vld [tilespmem:s14+$0x10F0];
	v5 =	vsel vm5, v28, v5;
	vm14 =	vlt.s32 v30, v4  }
0x1d1: {  	v12 =	vmul.f32 v35, v35;
	v6 =	vadd.f32 v9, v6;
	v7 =	vmul.f32 v7, v7  }
0x1d2: {  	v8 =	vsub.f32 v26, v3;
	vm3 =	veq.f32 v27, v5;
	vm5 =	vgt.f32 v27, v5  }
0x1d3: {  	s30 =	sadd.s32 $0x480, s14;
	s26 =	sadd.s32 $0x450, s14;
	vm3 =	vmand vm14, vm3;
	v26 =	vmin.f32 v34, v6;
	v6 =	vadd.f32 v7, v12;
	v7 =	vld [tilespmem:s14+$0x1D70]  }
0x1d4: {  	s31 =	sand.u32 $0x1F80, s30;
	v17 =	vor.u32 s26, v40;
	v19 =	vsub.f32 v39, v2;
	vm3 =	vmor vm5, vm3  }
0x1d5: {  	s24 =	sor.u32 s15, s31;
	v18 =	vld [tilespmem:s14+$0x29E0];
	v5 =	vsel vm5, v27, v5;
	v9 =	vsub.f32 v16, v1;
	v4 =	vsel vm3, v30, v4  }
0x1d6: {  	v20 =	vld [tilespmem:s24+$0x0];
	v8 =	vmul.f32 v8, v8;
	vm3 =	veq.f32 v26, v5;
	vm15 =	vlt.s32 v17, v4  }
0x1d7: {  	v21 =	vld [tilespmem:s24+$0xC80];
	v9 =	vmul.f32 v9, v9;
	vm5 =	vgt.f32 v26, v5;
	vm3 =	vmand vm15, vm3  }
0x1d8: {  	s28 =	sadd.s32 $0x460, s14;
	v34 =	vld [tilespmem:s14+$0x490];
	v12 =	vmul.f32 v19, v19;
	v6 =	vadd.f32 v8, v6;
	v7 =	vsub.f32 v7, v3  }
0x1d9: {  	v23 =	vor.u32 s28, v40;
	v22 =	vld [tilespmem:s24+$0x1900];
	vm3 =	vmor vm5, vm3  }
0x1da: {  	s29 =	sadd.s32 $0x470, s14;
	v25 =	vmin.f32 v18, v6;
	v6 =	vadd.f32 v9, v12;
	v7 =	vmul.f32 v7, v7  }
0x1db: {  	v24 =	vld [tilespmem:s14+$0x29F0];
	v39 =	vor.u32 s29, v40;
	v30 =	vsub.f32 v20, v2;
	v4 =	vsel vm3, v17, v4  }
0x1dc: {  	v5 =	vsel vm5, v26, v5;
	vm8 =	vlt.s32 v23, v4;
	v6 =	vadd.f32 v7, v6;
	v7 =	vld [tilespmem:s14+$0x1110]  }
0x1dd: {  	v8 =	vsub.f32 v21, v1;
	v17 =	vsub.f32 v34, v2;
	vm3 =	veq.f32 v25, v5  }
0x1de: {  	v9 =	vsub.f32 v22, v3;
	vm5 =	vgt.f32 v25, v5;
	vm3 =	vmand vm8, vm3  }
0x1df: {  	v12 =	vmul.f32 v30, v30;
	v8 =	vmul.f32 v8, v8;
	v18 =	vld [tilespmem:s14+$0x4A0];
	vm3 =	vmor vm5, vm3  }
0x1e0: {  	v16 =	vld [tilespmem:s24+$0x2580];
	v21 =	vor.u32 s30, v40;
	v9 =	vmul.f32 v9, v9;
	v4 =	vsel vm3, v23, v4  }
0x1e1: {  	v35 =	vld [tilespmem:s14+$0x1D90];
	v24 =	vmin.f32 v24, v6;
	v6 =	vadd.f32 v8, v12;
	v7 =	vsub.f32 v7, v1  }
0x1e2: {  	v19 =	vld [tilespmem:s14+$0x1120];
	v5 =	vsel vm5, v25, v5;
	vm9 =	vlt.s32 v39, v4;
	v12 =	vmul.f32 v17, v17  }
0x1e3: {  	vm3 =	veq.f32 v24, v5;
	v6 =	vadd.f32 v9, v6;
	v7 =	vmul.f32 v7, v7  }
0x1e4: {  	v34 =	vld [tilespmem:s14+$0x4B0];
	v30 =	vsub.f32 v18, v2;
	vm5 =	vgt.f32 v24, v5;
	vm3 =	vmand vm9, vm3  }
0x1e5: {  	vm3 =	vmor vm5, vm3;
	v22 =	vmin.f32 v16, v6;
	v6 =	vadd.f32 v7, v12;
	v7 =	vld [tilespmem:s14+$0x1DA0]  }
0x1e6: {  	v8 =	vsub.f32 v35, v3;
	v5 =	vsel vm5, v24, v5;
	v4 =	vsel vm3, v39, v4  }
0x1e7: {  	v23 =	vld [tilespmem:s14+$0x2A10];
	v9 =	vsub.f32 v19, v1;
	vm3 =	veq.f32 v22, v5;
	vm10 =	vlt.s32 v21, v4  }
0x1e8: {  	v35 =	vld [tilespmem:s14+$0x1130];
	v8 =	vmul.f32 v8, v8;
	vm5 =	vgt.f32 v22, v5;
	vm3 =	vmand vm10, vm3  }
0x1e9: {  	v18 =	vsub.f32 v34, v2;
	v9 =	vmul.f32 v9, v9;
	vm3 =	vmor vm5, vm3  }
0x1ea: {  	s31 =	sadd.s32 $0x4A0, s14;
	s30 =	sadd.s32 $0x490, s14;
	v39 =	vld [tilespmem:s14+$0x1DB0];
	v12 =	vmul.f32 v30, v30;
	v6 =	vadd.f32 v8, v6;
	v7 =	vsub.f32 v7, v3  }
0x1eb: {  	v34 =	vor.u32 s31, v40;
	v19 =	vld [tilespmem:s14+$0x4C0];
	v16 =	vor.u32 s30, v40;
	v4 =	vsel vm3, v21, v4  }
0x1ec: {  	v23 =	vmin.f32 v23, v6;
	v6 =	vadd.f32 v9, v12;
	v7 =	vmul.f32 v7, v7  }
0x1ed: {  	v17 =	vld [tilespmem:s14+$0x2A20];
	v5 =	vsel vm5, v22, v5;
	vm11 =	vlt.s32 v16, v4;
	v8 =	vsub.f32 v35, v1  }
0x1ee: {  	v12 =	vmul.f32 v18, v18;
	vm3 =	veq.f32 v23, v5;
	v6 =	vadd.f32 v7, v6;
	v7 =	vld [tilespmem:s14+$0x1140]  }
0x1ef: {  	v30 =	vld [tilespmem:s14+$0x1DC0];
	v9 =	vsub.f32 v39, v3;
	vm5 =	vgt.f32 v23, v5;
	vm3 =	vmand vm11, vm3  }
0x1f0: {  	v8 =	vmul.f32 v8, v8;
	v39 =	vsub.f32 v19, v2;
	vm3 =	vmor vm5, vm3  }
0x1f1: {  	v5 =	vsel vm5, v23, v5;
	v9 =	vmul.f32 v9, v9;
	v4 =	vsel vm3, v16, v4  }
0x1f2: {  	v35 =	vld [tilespmem:s14+$0x2A30];
	vm12 =	vlt.s32 v34, v4;
	v21 =	vmin.f32 v17, v6;
	v6 =	vadd.f32 v8, v12  }
0x1f3: {  	v12 =	vmul.f32 v39, v39;
	vm3 =	veq.f32 v21, v5;
	v7 =	vsub.f32 v7, v1  }
0x1f4: {  	v16 =	vld [tilespmem:s14+$0x4D0];
	v8 =	vsub.f32 v30, v3;
	vm5 =	vgt.f32 v21, v5;
	vm3 =	vmand vm12, vm3  }
0x1f5: {  	v17 =	vld [tilespmem:s14+$0x1150];
	v6 =	vadd.f32 v9, v6;
	vm3 =	vmor vm5, vm3;
	v7 =	vmul.f32 v7, v7  }
0x1f6: {  	v4 =	vsel vm3, v34, v4;
	v34 =	vld [tilespmem:s14+$0x2A40]  }
0x1f7: {  	v8 =	vmul.f32 v8, v8;
	v20 =	vmin.f32 v35, v6;
	v6 =	vadd.f32 v7, v12;
	_ =	sdelay $0x1  }
0x1f8: {  	[tilespmem:$0x1FFF0] =	vst v0;
	v0 =	vld [tilespmem:s14+$0x4E0];
	v6 =	vadd.f32 v8, v6  }
0x1f9: {  	v9 =	vsub.f32 v17, v1;
	v17 =	vld [tilespmem:s14+$0x1DE0]  }
0x1fa: {  	v35 =	vsub.f32 v16, v2;
	v19 =	vmin.f32 v34, v6;
	v34 =	vld [tilespmem:s14+$0x4F0]  }
0x1fb: {  	s26 =	sadd.s32 $0x4B0, s14;
	v39 =	vld [tilespmem:s14+$0x1160]  }
0x1fc: {  	v30 =	vor.u32 s26, v40;
	s26 =	sadd.s32 $0x500, s14;
	v12 =	vmul.f32 v35, v35;
	v9 =	vmul.f32 v9, v9  }
0x1fd: {  	s29 =	sand.u32 $0x1F80, s26;
	v7 =	vld [tilespmem:s14+$0x1DD0]  }
0x1fe: {  	v0 =	vsub.f32 v0, v2;
	s25 =	sor.u32 s15, s29;
	v6 =	vadd.f32 v9, v12  }
0x1ff: {  	v5 =	vsel vm5, v21, v5;
	v9 =	vsub.f32 v17, v3;
	v17 =	vsub.f32 v34, v2;
	v34 =	vld [tilespmem:s25+$0xC80]  }
0x200: {  	vm3 =	veq.f32 v20, v5;
	vm13 =	vlt.s32 v30, v4;
	v8 =	vsub.f32 v39, v1  }
0x201: {  	v0 =	vmul.f32 v0, v0;
	vm5 =	vgt.f32 v20, v5;
	vm3 =	vmand vm13, vm3  }
0x202: {  	s28 =	sadd.s32 $0x4C0, s14;
	vm3 =	vmor vm5, vm3;
	v8 =	vmul.f32 v8, v8;
	v7 =	vsub.f32 v7, v3  }
0x203: {  	v18 =	vor.u32 s28, v40;
	v5 =	vsel vm5, v20, v5;
	v4 =	vsel vm3, v30, v4;
	v30 =	vld [tilespmem:s14+$0x2A50]  }
0x204: {  	v0 =	vadd.f32 v8, v0;
	v7 =	vmul.f32 v7, v7;
	v8 =	vsub.f32 v34, v1;
	v34 =	vld [tilespmem:$0x1FDC0]  }
0x205: {  	vm14 =	vlt.s32 v18, v4;
	vm3 =	veq.f32 v19, v5  }
0x206: {  	v16 =	vld [tilespmem:s14+$0x2A60];
	vm5 =	vgt.f32 v19, v5;
	vm3 =	vmand vm14, vm3;
	v6 =	vadd.f32 v7, v6  }
0x207: {  	vm3 =	vmor vm5, vm3;
	v7 =	vld [tilespmem:s14+$0x1170]  }
0x208: {  	v35 =	vmul.f32 v9, v9;
	v4 =	vsel vm3, v18, v4;
	v18 =	vmin.f32 v30, v6;
	v6 =	vld [tilespmem:s14+$0x1DF0]  }
0x209: {  	[tilespmem:s14+$0x2590] =	vst v34;
	v34 =	vld [tilespmem:$0x1FDE0]  }
0x20a: {  	s28 =	sadd.s32 $0x4D0, s14;
	v0 =	vadd.f32 v35, v0;
	v35 =	vld [tilespmem:s25+$0x1900]  }
0x20b: {  	v39 =	vor.u32 s28, v40  }
0x20c: {  	v5 =	vsel vm5, v19, v5;
	vm15 =	vlt.s32 v39, v4;
	v30 =	vld [tilespmem:s25+$0x0];
	v7 =	vsub.f32 v7, v1  }
0x20d: {  	v11 =	vmul.f32 v17, v17;
	v17 =	vmin.f32 v16, v0;
	vm3 =	veq.f32 v18, v5  }
0x20e: {  	vm5 =	vgt.f32 v18, v5;
	v7 =	vmul.f32 v7, v7;
	v6 =	vsub.f32 v6, v3;
	[tilespmem:s14+$0x25B0] =	vst v34;
	v34 =	vld [tilespmem:$0x1FE10]  }
0x20f: {  	v0 =	vld [tilespmem:s14+$0x510];
	vm3 =	vmand vm15, vm3;
	v5 =	vsel vm5, v18, v5;
	v9 =	vsub.f32 v35, v3  }
0x210: {  	v16 =	vld [tilespmem:s14+$0x2A70];
	vm3 =	vmor vm5, vm3;
	v7 =	vadd.f32 v7, v11;
	v6 =	vmul.f32 v6, v6  }
0x211: {  	s30 =	sadd.s32 $0x4E0, s14;
	v35 =	vld [tilespmem:s14+$0x520];
	vm5 =	vgt.f32 v17, v5;
	v4 =	vsel vm3, v39, v4;
	v12 =	vsub.f32 v30, v2  }
0x212: {  	vm3 =	veq.f32 v17, v5;
	v39 =	vor.u32 s30, v40;
	v6 =	vadd.f32 v6, v7;
	v7 =	vld [tilespmem:s14+$0x1190]  }
0x213: {  	vm8 =	vlt.s32 v39, v4;
	v8 =	vmul.f32 v8, v8;
	v12 =	vmul.f32 v12, v12;
	[tilespmem:s14+$0x25E0] =	vst v34;
	v34 =	vld [tilespmem:$0x1FE30]  }
0x214: {  	v5 =	vsel vm5, v17, v5;
	v30 =	vld [tilespmem:s25+$0x2580];
	v0 =	vsub.f32 v0, v2;
	vm3 =	vmand vm8, vm3  }
0x215: {  	s31 =	sadd.s32 $0x4F0, s14;
	vm3 =	vmor vm5, vm3;
	v16 =	vmin.f32 v16, v6;
	v6 =	vadd.f32 v8, v12;
	v8 =	vld [tilespmem:s14+$0x1E10]  }
0x216: {  	v9 =	vmul.f32 v9, v9;
	v11 =	vor.u32 s31, v40;
	v4 =	vsel vm3, v39, v4;
	v39 =	vld [tilespmem:s14+$0x11A0]  }
0x217: {  	v0 =	vmul.f32 v0, v0;
	v35 =	vsub.f32 v35, v2;
	vm9 =	vlt.s32 v11, v4  }
0x218: {  	vm3 =	veq.f32 v16, v5;
	vm5 =	vgt.f32 v16, v5;
	v7 =	vsub.f32 v7, v1;
	[tilespmem:s16+$0x2580] =	vst v34;
	v34 =	vld [tilespmem:$0x1FE70]  }
0x219: {  	v6 =	vadd.f32 v9, v6;
	vm3 =	vmand vm9, vm3;
	v5 =	vsel vm5, v16, v5  }
0x21a: {  	vm3 =	vmor vm5, vm3;
	v7 =	vmul.f32 v7, v7;
	v8 =	vsub.f32 v8, v3  }
0x21b: {  	v9 =	vsub.f32 v39, v1;
	v4 =	vsel vm3, v11, v4;
	v13 =	vmin.f32 v30, v6  }
0x21c: {  	v30 =	vld [tilespmem:s14+$0x2A90];
	v0 =	vadd.f32 v7, v0;
	v7 =	vmul.f32 v8, v8;
	v8 =	vor.u32 s26, v40  }
0x21d: {  	v35 =	vmul.f32 v35, v35;
	vm3 =	veq.f32 v13, v5;
	vm10 =	vlt.s32 v8, v4;
	[tilespmem:s14+$0x2640] =	vst v34;
	v34 =	vld [tilespmem:$0x1FE90]  }
0x21e: {  	v9 =	vmul.f32 v9, v9;
	vm5 =	vgt.f32 v13, v5;
	vm3 =	vmand vm10, vm3  }
0x21f: {  	v6 =	vld [tilespmem:s14+$0x1E20];
	v0 =	vadd.f32 v7, v0;
	vm3 =	vmor vm5, vm3  }
0x220: {  	v4 =	vsel vm3, v8, v4;
	v8 =	vadd.f32 v9, v35;
	v9 =	vld [tilespmem:s14+$0x1E30]  }
0x221: {  	v15 =	vmin.f32 v30, v0;
	v30 =	vld [tilespmem:$0x1FDB0]  }
0x222: {  	[tilespmem:s14+$0x2660] =	vst v34;
	v34 =	vld [tilespmem:$0x1FEE0]  }
0x223: {  	s28 =	sadd.s32 $0x510, s14  }
0x224: {  	v14 =	vld [tilespmem:$0x1FDD0];
	v12 =	vor.u32 s28, v40;
	v5 =	vsel vm5, v13, v5  }
0x225: {  	v39 =	vld [tilespmem:s14+$0x530];
	vm3 =	veq.f32 v15, v5;
	vm11 =	vlt.s32 v12, v4  }
0x226: {  	v7 =	vld [tilespmem:s14+$0x11B0];
	vm5 =	vgt.f32 v15, v5;
	vm3 =	vmand vm11, vm3;
	[tilespmem:s14+$0x2580] =	vst v30;
	v30 =	vsub.f32 v9, v3  }
0x227: {  	v6 =	vsub.f32 v6, v3;
	vm3 =	vmor vm5, vm3;
	[tilespmem:s14+$0x26B0] =	vst v34;
	v34 =	vld [tilespmem:$0x1FF00]  }
0x228: {  	v4 =	vsel vm3, v12, v4;
	v12 =	vmul.f32 v30, v30;
	v30 =	vld [tilespmem:$0x1FE00]  }
0x229: {  	v6 =	vmul.f32 v6, v6;
	v35 =	vld [tilespmem:s14+$0x2AA0]  }
0x22a: {  	v39 =	vsub.f32 v39, v2;
	v0 =	vld [tilespmem:s14+$0x540]  }
0x22b: {  	v6 =	vadd.f32 v6, v8;
	v8 =	vld [tilespmem:s14+$0x11C0];
	v7 =	vsub.f32 v7, v1  }
0x22c: {  	[tilespmem:s14+$0x26D0] =	vst v34;
	v34 =	vld [tilespmem:$0x1FF20]  }
0x22d: {  	v39 =	vmul.f32 v39, v39;
	v7 =	vmul.f32 v7, v7;
	[tilespmem:s14+$0x25D0] =	vst v30;
	v30 =	vld [tilespmem:$0x1FE20]  }
0x22e: {  	v9 =	vld [tilespmem:s14+$0x550]  }
0x22f: {  	[tilespmem:s14+$0x25A0] =	vst v14;
	v14 =	vmin.f32 v35, v6;
	v6 =	vadd.f32 v7, v39;
	v39 =	vld [tilespmem:$0x1FDF0]  }
0x230: {  	v7 =	vld [tilespmem:s14+$0x1E40]  }
0x231: {  	v0 =	vsub.f32 v0, v2;
	v8 =	vsub.f32 v8, v1;
	[tilespmem:s18+$0x2580] =	vst v34;
	v34 =	vld [tilespmem:$0x1FF30]  }
0x232: {  	v5 =	vsel vm5, v15, v5;
	[tilespmem:s14+$0x25F0] =	vst v30;
	v30 =	vld [tilespmem:$0x1FE40]  }
0x233: {  	s29 =	sadd.s32 $0x520, s14;
	v0 =	vmul.f32 v0, v0;
	v6 =	vadd.f32 v12, v6;
	v12 =	vld [tilespmem:s14+$0x11D0];
	v8 =	vmul.f32 v8, v8  }
0x234: {  	v35 =	vor.u32 s29, v40;
	vm3 =	veq.f32 v14, v5;
	vm5 =	vgt.f32 v14, v5;
	[tilespmem:s14+$0x25C0] =	vst v39;
	v39 =	vld [tilespmem:s14+$0x2AB0]  }
0x235: {  	vm12 =	vlt.s32 v35, v4;
	v0 =	vadd.f32 v8, v0;
	v8 =	vsel vm5, v14, v5;
	v5 =	vld [tilespmem:s14+$0x1E50]  }
0x236: {  	vm3 =	vmand vm12, vm3;
	[tilespmem:s14+$0x26F0] =	vst v34;
	v34 =	vld [tilespmem:$0x1FF40]  }
0x237: {  	vm3 =	vmor vm5, vm3;
	[tilespmem:s14+$0x2610] =	vst v30;
	v30 =	vld [tilespmem:$0x1FE80]  }
0x238: {  	[tilespmem:s20+$0x2580] =	vst v46;
	v46 =	vld [tilespmem:$0x1FF90];
	s30 =	sadd.s32 $0x530, s14;
	v4 =	vsel vm3, v35, v4;
	v9 =	vsub.f32 v9, v2  }
0x239: {  	v35 =	vor.u32 s30, v40;
	v7 =	vsub.f32 v7, v3;
	v11 =	vmin.f32 v39, v6;
	v6 =	vld [tilespmem:$0x1FE50]  }
0x23a: {  	vm13 =	vlt.s32 v35, v4;
	v9 =	vmul.f32 v9, v9;
	v39 =	vld [tilespmem:s14+$0x2AC0]  }
0x23b: {  	v7 =	vmul.f32 v7, v7;
	v12 =	vsub.f32 v12, v1;
	vm3 =	veq.f32 v11, v8;
	[tilespmem:s14+$0x2710] =	vst v34;
	v34 =	vld [tilespmem:$0x1FF50]  }
0x23c: {  	vm5 =	vgt.f32 v11, v8;
	vm3 =	vmand vm13, vm3;
	[tilespmem:s14+$0x2650] =	vst v30;
	v30 =	vsub.f32 v5, v3;
	v5 =	vld [tilespmem:$0x1FEA0]  }
0x23d: {  	v0 =	vadd.f32 v7, v0;
	v7 =	vld [tilespmem:s14+$0x11E0];
	v12 =	vmul.f32 v12, v12;
	vm3 =	vmor vm5, vm3  }
0x23e: {  	s31 =	sadd.s32 $0x540, s14;
	v8 =	vsel vm5, v11, v8;
	v4 =	vsel vm3, v35, v4;
	[tilespmem:s14+$0x2620] =	vst v6;
	v6 =	vld [tilespmem:$0x1FE60]  }
0x23f: {  	v35 =	vor.u32 s31, v40;
	v10 =	vmin.f32 v39, v0;
	v0 =	vadd.f32 v12, v9;
	v9 =	vld [tilespmem:s14+$0x1E60]  }
0x240: {  	vm14 =	vlt.s32 v35, v4;
	vm3 =	veq.f32 v10, v8;
	[tilespmem:s14+$0x2720] =	vst v34;
	v34 =	vld [tilespmem:$0x1FF70]  }
0x241: {  	vm5 =	vgt.f32 v10, v8;
	vm3 =	vmand vm14, vm3;
	[tilespmem:s14+$0x2670] =	vst v5;
	v5 =	vld [tilespmem:$0x1FEB0]  }
0x242: {  	v39 =	vld [tilespmem:s14+$0x2AD0];
	vm3 =	vmor vm5, vm3  }
0x243: {  	v35 =	vsel vm3, v35, v4;
	v4 =	vld [tilespmem:$0x1FEF0]  }
0x244: {  	[tilespmem:s14+$0x2630] =	vst v6;
	v6 =	vld [tilespmem:s14+$0x560]  }
0x245: {  	v12 =	vmul.f32 v30, v30;
	[tilespmem:s14+$0x2740] =	vst v34;
	v34 =	vld [tilespmem:$0x1FF80]  }
0x246: {  	[tilespmem:s17+$0x2580] =	vst v5;
	v5 =	vld [tilespmem:$0x1FEC0]  }
0x247: {  	v30 =	vld [tilespmem:$0x1FED0];
	v0 =	vadd.f32 v12, v0  }
0x248: {  	[tilespmem:s19+$0x2580] =	vst v37;
	v12 =	vld [tilespmem:s14+$0x11F0]  }
0x249: {  	[tilespmem:s14+$0x28C0] =	vst v56;
	v7 =	vsub.f32 v7, v1;
	v6 =	vsub.f32 v6, v2;
	v0 =	vmin.f32 v39, v0;
	v39 =	vld [tilespmem:$0x1FF10]  }
0x24a: {  	[tilespmem:s14+$0x2750] =	vst v34;
	v34 =	vld [tilespmem:$0x1FFB0]  }
0x24b: {  	v7 =	vmul.f32 v7, v7;
	v9 =	vsub.f32 v9, v3;
	v6 =	vmul.f32 v6, v6;
	[tilespmem:s14+$0x2690] =	vst v5;
	v5 =	vld [tilespmem:s14+$0x570]  }
0x24c: {  	[tilespmem:s14+$0x26C0] =	vst v4;
	v4 =	vld [tilespmem:s14+$0x2AE0]  }
0x24d: {  	[tilespmem:s14+$0x2930] =	vst v63;
	s26 =	sadd.s32 $0x550, s14;
	v9 =	vmul.f32 v9, v9;
	v6 =	vadd.f32 v7, v6;
	v7 =	vsel vm5, v10, v8;
	v8 =	vld [tilespmem:s14+$0x1E70]  }
0x24e: {  	v56 =	vld [tilespmem:s14+$0x1EE0];
	v12 =	vsub.f32 v12, v1;
	[tilespmem:s14+$0x26E0] =	vst v39;
	v39 =	vor.u32 s26, v40  }
0x24f: {  	vm3 =	veq.f32 v0, v7;
	v6 =	vadd.f32 v9, v6;
	vm15 =	vlt.s32 v39, v35;
	[tilespmem:s14+$0x2790] =	vst v34;
	v34 =	vld [tilespmem:$0x1FFC0]  }
0x250: {  	v63 =	vld [tilespmem:s14+$0x1270];
	[tilespmem:s14+$0x2970] =	vst v41;
	vm8 =	vgt.f32 v0, v7;
	vm3 =	vmand vm15, vm3;
	v5 =	vsub.f32 v5, v2  }
0x251: {  	v41 =	vld [tilespmem:s14+$0x1EF0];
	[tilespmem:s14+$0x26A0] =	vst v30;
	v30 =	vmul.f32 v12, v12;
	v37 =	vmin.f32 v4, v6;
	vm3 =	vmor vm8, vm3  }
0x252: {  	s28 =	sadd.s32 $0x580, s14;
	v4 =	vsub.f32 v8, v3;
	v35 =	vsel vm3, v39, v35;
	v39 =	vld [tilespmem:$0x1FF60];
	v5 =	vmul.f32 v5, v5  }
0x253: {  	[tilespmem:s14+$0x2760] =	vst v46;
	s29 =	sand.u32 $0x1F80, s28;
	v9 =	vld [tilespmem:s14+$0x2AF0]  }
0x254: {  	s16 =	sor.u32 s15, s29;
	v4 =	vmul.f32 v4, v4;
	v5 =	vadd.f32 v30, v5;
	[tilespmem:s14+$0x27A0] =	vst v34;
	v34 =	vld [tilespmem:$0x1FFD0]  }
0x255: {  	[tilespmem:s14+$0x2830] =	vst v47;
	s30 =	sadd.s32 $0x560, s14;
	v12 =	vld [tilespmem:s16+$0x0]  }
0x256: {  	[tilespmem:s14+$0x28D0] =	vst v57;
	v7 =	vsel vm8, v0, v7;
	v6 =	vld [tilespmem:s16+$0xC80];
	v8 =	vor.u32 s30, v40;
	v4 =	vadd.f32 v4, v5  }
0x257: {  	vm10 =	vgt.f32 v37, v7;
	vm3 =	veq.f32 v37, v7;
	vm9 =	vlt.s32 v8, v35;
	[tilespmem:s14+$0x2730] =	vst v39;
	v39 =	vld [tilespmem:s16+$0x1900]  }
0x258: {  	[tilespmem:s22+$0x2580] =	vst v60;
	vm3 =	vmand vm9, vm3;
	v30 =	vmin.f32 v9, v4;
	v4 =	vsel vm10, v37, v7;
	v7 =	vld [tilespmem:$0x1FFA0]  }
0x259: {  	vm3 =	vmor vm10, vm3;
	[tilespmem:s14+$0x27B0] =	vst v34;
	v34 =	vld [tilespmem:$0x1FFE0]  }
0x25a: {  	[tilespmem:s14+$0x2910] =	vst v61;
	v8 =	vsel vm3, v8, v35;
	v35 =	vld [tilespmem:s14+$0x1210]  }
0x25b: {  	s19 =	sadd.s32 $0x590, s14;
	s22 =	sadd.s32 $0x5C0, s14;
	[tilespmem:s14+$0x2940] =	vst v44;
	v12 =	vsub.f32 v12, v2;
	v6 =	vsub.f32 v6, v1;
	v5 =	vld [tilespmem:s14+$0x590]  }
0x25c: {  	v47 =	vor.u32 s19, v40;
	v57 =	vor.u32 s22, v40;
	v61 =	vsub.f32 v56, v3;
	[tilespmem:s25+$0x2580] =	vst v13  }
0x25d: {  	v44 =	vsub.f32 v63, v1;
	s31 =	sadd.s32 $0x570, s14;
	v6 =	vmul.f32 v6, v6;
	v9 =	vmul.f32 v12, v12;
	v12 =	vld [tilespmem:s14+$0x1E90];
	[tilespmem:s14+$0x2770] =	vst v7  }
0x25e: {  	v13 =	vsub.f32 v41, v3;
	v46 =	vor.u32 s31, v40;
	v7 =	vsub.f32 v39, v3;
	[tilespmem:s14+$0x27C0] =	vst v34;
	v34 =	vld [tilespmem:$0x1FFF0]  }
0x25f: {  	[tilespmem:s14+$0x2850] =	vst v49;
	v49 =	vld [tilespmem:s14+$0x1250];
	vm11 =	vlt.s32 v46, v8;
	vm3 =	veq.f32 v30, v4;
	v6 =	vadd.f32 v6, v9  }
0x260: {  	v9 =	vsub.f32 v35, v1;
	v5 =	vsub.f32 v5, v2;
	v39 =	vld [tilespmem:s16+$0x2580];
	v7 =	vmul.f32 v7, v7  }
0x261: {  	v13 =	vmul.f32 v13, v13;
	vm12 =	vgt.f32 v30, v4;
	vm3 =	vmand vm11, vm3  }
0x262: {  	[tilespmem:s14+$0x2960] =	vst v42;
	s26 =	sadd.s32 $0x5E0, s14;
	v9 =	vmul.f32 v9, v9;
	v5 =	vmul.f32 v5, v5;
	v6 =	vadd.f32 v7, v6;
	v7 =	vld [tilespmem:s14+$0x5A0]  }
0x263: {  	v42 =	vor.u32 s26, v40;
	vm3 =	vmor vm12, vm3;
	v12 =	vsub.f32 v12, v3;
	[tilespmem:s14+$0x27D0] =	vst v34;
	v34 =	vld [tilespmem:s14+$0x1220]  }
0x264: {  	[tilespmem:s14+$0x27E0] =	vst v32;
	v35 =	vsub.f32 v49, v1;
	v8 =	vsel vm3, v46, v8;
	v46 =	vld [tilespmem:s14+$0x1230];
	v5 =	vadd.f32 v9, v5  }
0x265: {  	[tilespmem:s14+$0x27F0] =	vst v33;
	v9 =	vor.u32 s28, v40;
	v12 =	vmul.f32 v12, v12;
	v32 =	vmin.f32 v39, v6;
	v6 =	vld [tilespmem:s14+$0x2B10]  }
0x266: {  	v33 =	vld [tilespmem:s14+$0x1EA0];
	[tilespmem:s14+$0x28B0] =	vst v55;
	v4 =	vsel vm12, v30, v4;
	v55 =	vmul.f32 v35, v35;
	vm13 =	vlt.s32 v9, v8  }
0x267: {  	[tilespmem:s14+$0x2820] =	vst v45;
	v5 =	vadd.f32 v12, v5;
	vm3 =	veq.f32 v32, v4;
	vm14 =	vgt.f32 v32, v4  }
0x268: {  	[tilespmem:s23+$0x2580] =	vst v38;
	s23 =	sadd.s32 $0x5D0, s14;
	vm3 =	vmand vm13, vm3;
	v7 =	vsub.f32 v7, v2;
	v34 =	vsub.f32 v34, v1  }
0x269: {  	v45 =	vld [tilespmem:s14+$0x5B0];
	[tilespmem:s21+$0x2580] =	vst v52;
	v35 =	vor.u32 s23, v40;
	v52 =	vsub.f32 v46, v1;
	vm3 =	vmor vm14, vm3  }
0x26a: {  	[tilespmem:s14+$0x2810] =	vst v31;
	v31 =	vmin.f32 v6, v5;
	v5 =	vmul.f32 v7, v7;
	v6 =	vmul.f32 v34, v34  }
0x26b: {  	[tilespmem:s14+$0x2860] =	vst v50;
	v50 =	vld [tilespmem:s14+$0x1EB0];
	v4 =	vsel vm14, v32, v4;
	v8 =	vsel vm3, v9, v8;
	v7 =	vsub.f32 v33, v3  }
0x26c: {  	[tilespmem:s14+$0x2840] =	vst v48;
	vm15 =	vlt.s32 v47, v8;
	vm3 =	veq.f32 v31, v4;
	v5 =	vadd.f32 v6, v5;
	v6 =	vld [tilespmem:s14+$0x2B20]  }
0x26d: {  	s20 =	sadd.s32 $0x5A0, s14;
	v48 =	vld [tilespmem:s14+$0x5D0];
	[tilespmem:s14+$0x28A0] =	vst v54;
	vm8 =	vgt.f32 v31, v4;
	vm3 =	vmand vm15, vm3;
	v7 =	vmul.f32 v7, v7  }
0x26e: {  	v54 =	vld [tilespmem:s14+$0x2B30];
	[tilespmem:s24+$0x2580] =	vst v22;
	s24 =	sadd.s32 $0x600, s14;
	v12 =	vsub.f32 v45, v2;
	v45 =	vor.u32 s20, v40;
	vm3 =	vmor vm8, vm3  }
0x26f: {  	[tilespmem:s14+$0x2890] =	vst v53;
	s28 =	sand.u32 $0x1F80, s24;
	v53 =	vmul.f32 v52, v52;
	v8 =	vsel vm3, v47, v8;
	v47 =	vld [tilespmem:s14+$0x1EC0];
	v5 =	vadd.f32 v7, v5  }
0x270: {  	s15 =	sor.u32 s15, s28;
	v46 =	vld [tilespmem:s14+$0x5C0];
	v39 =	vmul.f32 v61, v61;
	v9 =	vsub.f32 v50, v3;
	v7 =	vmul.f32 v12, v12  }
0x271: {  	[tilespmem:s14+$0x2950] =	vst v43;
	v43 =	vld [tilespmem:s15+$0x0];
	v4 =	vsel vm8, v31, v4;
	vm9 =	vlt.s32 v45, v8;
	v33 =	vmin.f32 v6, v5  }
0x272: {  	v5 =	vadd.f32 v53, v7;
	v6 =	vld [tilespmem:s14+$0x1240];
	v7 =	vmul.f32 v9, v9;
	vm3 =	veq.f32 v33, v4  }
0x273: {  	v12 =	vsub.f32 v48, v2;
	vm10 =	vgt.f32 v33, v4;
	vm3 =	vmand vm9, vm3  }
0x274: {  	s21 =	sadd.s32 $0x5B0, s14;
	v9 =	vsub.f32 v47, v3;
	v53 =	vld [tilespmem:s14+$0x1260];
	v5 =	vadd.f32 v7, v5;
	vm3 =	vmor vm10, vm3  }
0x275: {  	v47 =	vld [tilespmem:s15+$0x1900];
	v7 =	vor.u32 s21, v40;
	v4 =	vsel vm10, v33, v4;
	v8 =	vsel vm3, v45, v8  }
0x276: {  	[tilespmem:s14+$0x2870] =	vst v51;
	v34 =	vmin.f32 v54, v5;
	v5 =	vsub.f32 v46, v2;
	v54 =	vmul.f32 v12, v12  }
0x277: {  	[tilespmem:s14+$0x28E0] =	vst v58;
	v52 =	vld [tilespmem:s14+$0x5E0];
	v46 =	vmul.f32 v44, v44;
	v12 =	vsub.f32 v43, v2;
	v6 =	vsub.f32 v6, v1  }
0x278: {  	[tilespmem:s14+$0x28F0] =	vst v59;
	v50 =	vld [tilespmem:s14+$0x1ED0];
	vm3 =	veq.f32 v34, v4;
	vm11 =	vlt.s32 v7, v8;
	vm12 =	vgt.f32 v34, v4  }
0x279: {  	[tilespmem:s14+$0x2920] =	vst v62;
	v45 =	vld [tilespmem:s15+$0xC80];
	v59 =	vsub.f32 v53, v1;
	v5 =	vmul.f32 v5, v5;
	v6 =	vmul.f32 v6, v6  }
0x27a: {  	v51 =	vld [tilespmem:s14+$0x2B40];
	[tilespmem:s14+$0x2990] =	vst v36;
	v53 =	vsub.f32 v47, v3;
	vm3 =	vmand vm11, vm3;
	v4 =	vsel vm12, v34, v4  }
0x27b: {  	[tilespmem:s14+$0x29A0] =	vst v29;
	vm3 =	vmor vm12, vm3;
	v5 =	vadd.f32 v6, v5;
	v6 =	vmul.f32 v9, v9  }
0x27c: {  	[tilespmem:s14+$0x29B0] =	vst v28;
	v7 =	vsel vm3, v7, v8;
	v8 =	vadd.f32 v55, v54;
	v55 =	vld [tilespmem:s14+$0x1F10];
	v9 =	vsub.f32 v52, v2  }
0x27d: {  	[tilespmem:s14+$0x29C0] =	vst v27;
	v12 =	vmul.f32 v12, v12;
	v62 =	vmul.f32 v59, v59;
	v5 =	vadd.f32 v6, v5  }
0x27e: {  	v58 =	vld [tilespmem:s14+$0x2B50];
	[tilespmem:s14+$0x29D0] =	vst v26;
	s29 =	sadd.s32 $0x5F0, s14;
	v6 =	vsub.f32 v50, v3;
	v9 =	vmul.f32 v9, v9;
	v50 =	vsub.f32 v45, v1  }
0x27f: {  	v60 =	vld [tilespmem:s14+$0x5F0];
	[tilespmem:s14+$0x29E0] =	vst v25;
	vm13 =	vlt.s32 v57, v7;
	v52 =	vor.u32 s29, v40;
	v5 =	vmin.f32 v51, v5  }
0x280: {  	[tilespmem:s14+$0x29F0] =	vst v24;
	v6 =	vmul.f32 v6, v6;
	v9 =	vadd.f32 v62, v9;
	v54 =	vmul.f32 v50, v50  }
0x281: {  	[tilespmem:s14+$0x2A10] =	vst v23;
	v61 =	vsub.f32 v55, v3;
	v62 =	vor.u32 s24, v40;
	vm3 =	veq.f32 v5, v4  }
0x282: {  	v38 =	vld [tilespmem:s14+$0x2B60];
	[tilespmem:s14+$0x2A20] =	vst v21;
	vm14 =	vgt.f32 v5, v4;
	vm3 =	vmand vm13, vm3;
	v6 =	vadd.f32 v6, v8  }
0x283: {  	[tilespmem:s14+$0x2A30] =	vst v20;
	v49 =	vld [tilespmem:s14+$0x610];
	v4 =	vsel vm14, v5, v4;
	v9 =	vadd.f32 v39, v9;
	vm3 =	vmor vm14, vm3  }
0x284: {  	[tilespmem:s14+$0x2A40] =	vst v19;
	v51 =	vld [tilespmem:s14+$0x1290];
	v8 =	vsub.f32 v60, v2;
	v6 =	vmin.f32 v58, v6;
	v7 =	vsel vm3, v57, v7  }
0x285: {  	[tilespmem:s14+$0x2A50] =	vst v18;
	v12 =	vadd.f32 v54, v12;
	vm15 =	veq.f32 v6, v4;
	vm8 =	vlt.s32 v35, v7  }
0x286: {  	[tilespmem:s14+$0x2A60] =	vst v17;
	v8 =	vmul.f32 v8, v8;
	vm3 =	vgt.f32 v6, v4;
	vm4 =	vmand vm8, vm15  }
0x287: {  	[tilespmem:s14+$0x2A70] =	vst v16;
	v48 =	vld [tilespmem:s14+$0x2B70];
	v9 =	vmin.f32 v38, v9;
	v4 =	vsel vm3, v6, v4;
	vm3 =	vmor vm3, vm4  }
0x288: {  	[tilespmem:s14+$0x2A90] =	vst v15;
	v57 =	vsub.f32 v49, v2;
	v8 =	vadd.f32 v46, v8;
	v7 =	vsel vm3, v35, v7  }
0x289: {  	[tilespmem:s14+$0x2AA0] =	vst v14;
	v58 =	vsub.f32 v51, v1;
	vm9 =	veq.f32 v9, v4;
	vm10 =	vlt.s32 v42, v7  }
0x28a: {  	[tilespmem:s14+$0x2AB0] =	vst v11;
	vm3 =	vgt.f32 v9, v4;
	v8 =	vadd.f32 v13, v8;
	vm4 =	vmand vm10, vm9  }
0x28b: {  	[tilespmem:s14+$0x2AD0] =	vst v0;
	v56 =	vld [tilespmem:s15+$0x2580];
	v0 =	vmul.f32 v57, v57;
	v13 =	vmul.f32 v53, v53;
	vm4 =	vmor vm3, vm4  }
0x28c: {  	[tilespmem:s14+$0x2AC0] =	vst v10;
	v4 =	vsel vm3, v9, v4;
	v8 =	vmin.f32 v48, v8;
	v7 =	vsel vm4, v42, v7  }
0x28d: {  	[tilespmem:s14+$0x2AE0] =	vst v37;
	v60 =	vmul.f32 v58, v58;
	vm3 =	veq.f32 v8, v4;
	vm4 =	vlt.s32 v52, v7  }
0x28e: {  	[tilespmem:s14+$0x2AF0] =	vst v30;
	v59 =	vadd.f32 v13, v12;
	vm11 =	vgt.f32 v8, v4;
	vm3 =	vmand vm4, vm3  }
0x28f: {  	v63 =	vld [tilespmem:s14+$0x2B90];
	[tilespmem:s16+$0x2580] =	vst v32;
	v0 =	vadd.f32 v60, v0;
	v12 =	vmul.f32 v61, v61;
	vm3 =	vmor vm11, vm3  }
0x290: {  	[tilespmem:s14+$0x2B10] =	vst v31;
	v4 =	vsel vm11, v8, v4;
	v10 =	vmin.f32 v56, v59;
	v7 =	vsel vm3, v52, v7  }
0x291: {  	[tilespmem:s14+$0x2B20] =	vst v33;
	vm3 =	veq.f32 v10, v4;
	vm12 =	vlt.s32 v62, v7  }
0x292: {  	s30 =	sadd.s32 $0x610, s14;
	[tilespmem:s14+$0x2B30] =	vst v34;
	v0 =	vadd.f32 v12, v0;
	vm13 =	vgt.f32 v10, v4;
	vm3 =	vmand vm12, vm3  }
0x293: {  	p1 =	slt.u32 s13, $0x62;
	[tilespmem:s14+$0x2B50] =	vst v6;
	v6 =	vor.u32 s30, v40;
	vm3 =	vmor vm13, vm3  }
.Ltmp3:
0x294: {  	[tilespmem:s14+$0x2B40] =	vst v5;
	v0 =	vmin.f32 v63, v0;
	v4 =	vsel vm13, v10, v4;
	v7 =	vsel vm3, v62, v7;
	(pc) =	sbr.rel @p1 .LBB2_4-.Ltmp3, $4  }
0x295: {  	[tilespmem:s14+$0x2B60] =	vst v9;
	vm3 =	veq.f32 v0, v4;
	vm14 =	vlt.s32 v6, v7  }
0x296: {  	[tilespmem:s14+$0x2B70] =	vst v8;
	vm15 =	vgt.f32 v0, v4;
	vm3 =	vmand vm14, vm3  }
0x297: {  	s31 =	sadd.s32 $0x62, s13;
	[tilespmem:s15+$0x2580] =	vst v10;
	vm3 =	vmor vm15, vm3  }
0x298: {  	s13 =	smov.u32 s31;
	[tilespmem:s14+$0x2B90] =	vst v0;
	v5 =	vsel vm15, v0, v4;
	v4 =	vsel vm3, v6, v7  }
0x299: {  	(xrf0) =	vmax.scan.msk.f32 $0xffff, v5;
	_ =	sdelay $0x5  }
0x29a: {  	v0, _, _ =	vpop (xrf0)  }
0x29b: {  	v0 =	vbroadcast v0, $0xF;
	_ =	sdelay $0x1  }
0x29c: {  	v1 =	vxor.u32 $0x80000000, v4;
	vm3 =	veq.f32 v5, v0  }
0x29d: {  	v1 =	vnsel vm3, $0xC0000000, v1  }
0x29e: {  	(xrf0) =	vmin.scan.msk.u32 $0xffff, v1;
	_ =	sdelay $0x5  }
0x29f: {  	v1, _, _ =	vpop (xrf0)  }
0x2a0: {  	(v2sf) =	vpush v1, $0xF;
	_ =	sdelay $0xe  }
0x2a1: {  	s13 =	spop (v2sf)  }
0x2a2: {  	s13 =	sxor.u32 $0x80000000, s13  }
0x2a3: {  	v1 =	vmov s13;
	_ =	sdelay $0x4  }
0x2a4: {  	v2 =	vld.idx.msk [tilespmem:v1+s7+$0x0], $0xffff  }
0x2a5: {  	v3 =	vld.idx.msk [tilespmem:v1+s8+$0x0], $0xffff  }
0x2a6: {  	v1 =	vld.idx.msk [tilespmem:v1+s6+$0x0], $0xffff;
	_ =	sdelay $0x2  }
0x2a7: {  	s13 =	sadd.s32 s2, s13  }
0x2a8: {  	s13 =	scvt.s32.f32 s13;
	v2 =	vsel vm0, v3, v2  }
0x2a9: {  	s14 =	sshll.u32 s12, $0x8;
	vm3 =	veq.s32 v40, $0x1;
	v1 =	vsel vm1, v2, v1  }
0x2aa: {  	s30 =	sand.u32 $0x100, s14;
	v1 =	vsel vm3, s13, v1;
	vm3 =	vmmov $0x1  }
0x2ab: {  	s13 =	sadd.s32 s30, s3;
	v0 =	vsel vm3, v0, v1  }
0x2ac: {  	s31 =	sadd.s32 s9, s13;
	[tilespmem:$0x3200] =	vst v0  }
0x2ad: {  	[spmem:s31] =	stream.linear.scatter [tilespmem:s10], [sflag:$0x1], $0x10, $0x38;
	[tilespmem:$0x4BA0] =	vst v63  }
0x2ae: {  	_ =	swait.ge [sflag:s5], $0x10  }
0x2af: {  	[sflag:s5] =	ssyncset.done $0x0  }
0x2b0: {  	v0 =	vmul.u32 $0x10, v40;
	[sflag:s5] =	ssyncadd.s32 $0xFFFFFFF0  }
0x2b1: {  	[bflag:$0x0] =	sbarrier.arrive $0xFFFF  }
0x2b2: {  	[tilespmem:s4], [sflag:$0x1] =	stream.linear.gather [spmem:s13], $0x100, $0x38;
	[tilespmem:$0x4BA0] =	vst v63  }
0x2b3: {  	_ =	swait.ge [sflag:s5], $0x100  }
0x2b4: {  	[sflag:s5] =	ssyncset.done $0x0  }
0x2b5: {  	[sflag:s5] =	ssyncadd.s32 $0xFFFFFF00  }
0x2b6: {  	v1 =	vld.idx.msk [tilespmem:v0+s4+$0x0], $0xffff;
	_ =	sdelay $0x4  }
0x2b7: {  	v0 =	vor.u32 $0x1, v0;
	(xrf0) =	vmax.scan.msk.f32 $0xffff, v1;
	_ =	sdelay $0x4  }
0x2b8: {  	v0 =	vld.idx.msk [tilespmem:v0+s4+$0x0], $0xffff  }
0x2b9: {  	v2, _, _ =	vpop (xrf0)  }
0x2ba: {  	v2 =	vbroadcast v2, $0xF;
	_ =	sdelay $0x1  }
0x2bb: {  	vm4 =	veq.f32 v1, v2  }
0x2bc: {  	v1 =	vnsel vm4, $0x7F800000, v0  }
0x2bd: {  	(xrf0) =	vmin.scan.msk.f32 $0xffff, v1;
	_ =	sdelay $0x5  }
0x2be: {  	v1, _, _ =	vpop (xrf0)  }
0x2bf: {  	v1 =	vbroadcast v1, $0xF;
	_ =	sdelay $0x1  }
0x2c0: {  	vm5 =	veq.f32 v0, v1  }
0x2c1: {  	vm4 =	vmand vm4, vm5  }
0x2c2: {  	v0 =	vmctz.xlane vm4;
	_ =	sdelay $0x1  }
0x2c3: {  	v0 =	vshll.u32 v0, $0x4  }
0x2c4: {  	v1 =	vor.u32 $0x2, v0  }
0x2c5: {  	v3 =	vor.u32 $0x3, v0  }
0x2c6: {  	v0 =	vor.u32 $0x4, v0  }
.Ltmp4:
0x2c7: {  	_ = 	snop;
	(pc) =	sbr.rel @!p0 .LBB2_6-.Ltmp4, $4  }
0x2c8: {  	_ = 	snop  }
0x2c9: {  	v2 =	vld.idx.msk [tilespmem:v1+s4+$0x0], $0xffff  }
0x2ca: {  	v1 =	vld.idx.msk [tilespmem:v3+s4+$0x0], $0xffff  }
0x2cb: {  	v3 =	vld.idx.msk [tilespmem:v0+s4+$0x0], $0xffff  }
0x2cc: {  	s12 =	sadd.s32 $0x1, s12  }
0x2cd: {  	p1 =	seq.s32 s12, $0x800  }
.Ltmp5:
0x2ce: {  	_ = 	snop;
	(pc) =	sbr.rel @!p1 .LBB2_3-.Ltmp5, $4  }
.Ltmp6:
0x2cf: {  	_ = 	snop;
	(pc) =	sbr.rel @p1 .LBB2_8-.Ltmp6, $4  }
0x2d0: {  	_ = 	snop  }
0x2d1: {  	_ = 	snop  }
0x2d2: {  	_ = 	snop  }
0x2d3: {  	_ = 	snop  }
.LBB2_7:
0x2d4: {  	s2 =	simm.s32 $0x0;
	s3 =	simm.s32 $0x3380;
	s31 =	simm.s32 $0x1  }
0x2d5: {  	[hbm4b:s1+s2] =	stream.linear.scatter [tilespmem:s3], [sflag:$0x1], $0x1800, $0x38;
	[tilespmem:$0x4BA0] =	vst v63  }
0x2d6: {  	_ =	swait.ge [sflag:s31], $0x1800  }
0x2d7: {  	[sflag:s31] =	ssyncset.done $0x0  }
0x2d8: {  	[sflag:s31] =	ssyncadd.s32 $0xFFFFE800  }
.LBB2_8:
0x2d9: {  	_ =	sfence.sel $0x180000  }
0x2da: {  	[bflag:$0x0] =	sbarrier.arrive $0xFFFF  }
0x2db: {  	_ =	strace $0x90000047  }
0x2dc: {  	s0 =	sadd.s32 @!p0 $0x100000, s0;
	[bflag:$0x2] =	sbarrier.arrive $0xFFFF  }
0x2dd: {  	[sflag:s0] =	ssyncadd.tile.s32 @!p0 $0x1;
	_ =	shalt  }
.Lfunc_end2:
_tile_overlayer_lowered:
.L_overlay_start_2:
0x2de: {  	(tag) =	ssettag $0x2  }
0x2df: {  	s0 =	rddreg [dreg:$0x0];
	s2 =	stileid.u32  }
0x2e0: {  	s1 =	rddreg [dreg:$0x1];
	p0 =	sne.s32 s2, $0x0  }
0x2e1: {  	s3 =	rddreg [dreg:$0x2];
	[bflag:$0x3] =	sbarrier.arrive $0xFFFF;
	s2 =	simm.s32 @!p0 $0x1C01  }
0x2e2: {  	[timem:s3], [sflag:s2] =	dma.local @!p0 [hbm:s0], s1  }
0x2e3: {  	s0 =	simm.s32 @!p0 $0x1  }
0x2e4: {  	_ =	swait.ge @!p0 [sflag:s0], s1  }
0x2e5: {  	s1 =	ssub.s32 @!p0 $0x0, s1;
	[sflag:s0] =	ssyncset.done @!p0 $0x0  }
0x2e6: {  	[sflag:s0] =	ssyncadd.s32 @!p0 s1  }
0x2e7: {  	[bflag:$0x3] =	sbarrier.arrive $0xFFFF  }
0x2e8: {  	_ =	shalt  }

</sc_bundles>
